<compile_context>
chip_gen: v7x
topology: tpu7x:2x2x1
jax: 0.10.2.dev20260603
libtpu: 0.0.44.dev20260713+nightly
codegen_flags: <defaults>
</compile_context>

<pallas_src>
import functools

import jax
import jax.numpy as jnp
from jax import lax
from jax.experimental import pallas as pl
from jax.experimental.pallas import tpu as pltpu
from jax.experimental.pallas import tpu_sc as plsc

_LANES = 128
_FIRE = 10
_CHUNK = _LANES * _FIRE


@functools.lru_cache(maxsize=None)
def _make_gather(nw, rows_per_w, d, n):
    mesh = plsc.VectorSubcoreMesh(core_axis_name="c", subcore_axis_name="s")
    per_w = rows_per_w * _LANES
    n_macro = per_w // _CHUNK
    n_it = n_macro // 2

    @functools.partial(
        pl.kernel,
        mesh=mesh,
        out_type=jax.ShapeDtypeStruct((n, d), jnp.float32),
        scratch_types=[
            pltpu.VMEM((rows_per_w, _LANES), jnp.int32),
            pltpu.VMEM((2, _CHUNK, d), jnp.float32),
            pltpu.SemaphoreType.DMA,
            pltpu.SemaphoreType.DMA,
            pltpu.SemaphoreType.DMA,
            pltpu.SemaphoreType.DMA,
        ],
        compiler_params=pltpu.CompilerParams(use_tc_tiling_on_sc=False),
    )
    def k(x_hbm, table_hbm, out_hbm, idx_v, rows_v, g0, g1, w0, w1):
        wid = lax.axis_index("s") * 2 + lax.axis_index("c")
        pltpu.sync_copy(x_hbm.at[wid], idx_v)
        base = wid * per_w
        gsem = (g0, g1)
        wsem = (w0, w1)

        def fire(m, p):
            for j in range(_FIRE):
                pltpu.async_copy(
                    table_hbm.at[idx_v.at[m * _FIRE + j]],
                    rows_v.at[p, pl.ds(j * _LANES, _LANES)],
                    gsem[p],
                )

        def drain_g(p):
            for j in range(_FIRE):
                pltpu.make_async_copy(
                    table_hbm.at[idx_v.at[j]],
                    rows_v.at[p, pl.ds(j * _LANES, _LANES)],
                    gsem[p],
                ).wait()

        def put(m, p):
            pltpu.async_copy(
                rows_v.at[p],
                out_hbm.at[pl.ds(base + m * _CHUNK, _CHUNK)],
                wsem[p],
            )

        def drain_w(p):
            pltpu.make_async_copy(
                rows_v.at[p],
                out_hbm.at[pl.ds(base, _CHUNK)],
                wsem[p],
            ).wait()

        fire(0, 0)

        def body(i, carry):
            m0 = 2 * i
            m1 = m0 + 1

            drain_g(0)

            @pl.when(i > 0)
            def _():
                drain_w(1)

            fire(m1, 1)
            put(m0, 0)
            drain_g(1)
            drain_w(0)

            @pl.when(i < n_it - 1)
            def _():
                fire(m0 + 2, 0)

            put(m1, 1)
            return carry

        lax.fori_loop(0, n_it, body, 0)
        drain_w(1)

    return k


def kernel(x, table):
    b, h = x.shape
    d = table.shape[1]
    n = b * h
    info = plsc.get_sparse_core_info()
    nw = info.num_cores * info.num_subcores
    rows_per_w = n // (nw * _LANES)
    xf = x.reshape(nw, rows_per_w, _LANES)
    out = _make_gather(nw, rows_per_w, d, n)(xf, table)
    return out.reshape(b, h, d)

# --- scband reference (transcript-rebuilt; emitter-appended) ---
"""Pipeline reference for scband-embedding-31224412242852 (READ-ONLY COPY).

The authoritative reference and input builder live on the scoring server;
editing this copy changes nothing except your own understanding.
"""

import jax, jax.numpy as jnp
import numpy as np

VOCAB = 1000000
EMB_DIM = 32
PAD_IDX = 3
BATCH = 4096
HIST = 200


def setup_inputs(seed: int = 0) -> dict:
    key = jax.random.key(seed)
    k_idx, k_tab = jax.random.split(key)
    x = jax.random.randint(k_idx, (BATCH, HIST), 0, VOCAB, dtype=jnp.int32)
    table = jax.random.normal(k_tab, (VOCAB, EMB_DIM), dtype=jnp.float32)
    # torch nn.Embedding zeros the padding_idx row at init
    table = table.at[PAD_IDX].set(0.0)
    return {"x": x, "table": table}


def reference(x, table):
    # Faithful to nn.Embedding with padding_idx: the padding row is zero.
    tab = table.at[PAD_IDX].set(0.0)
    out = jnp.take(tab, x, axis=0)
    return out

if __name__ == "__main__":
    import jax
    _d = setup_inputs()
    print(jax.jit(kernel)(*tuple(_d.values())))

</pallas_src>

<mosaic_0001>
#map = affine_map<(d0, d1) -> (0, 0, 0)>
#map1 = affine_map<(d0, d1) -> (0, 0)>
module attributes {stable_mosaic.version = 14 : i64} {
  func.func @k(%arg0: i32, %arg1: i32, %arg2: memref<32x200x128xi32, #tpu.memory_space<hbm>>, %arg3: memref<1000000x32xf32, #tpu.memory_space<hbm>>, %arg4: memref<819200x32xf32, #tpu.memory_space<hbm>>, %arg5: memref<200x128xi32, #tpu.memory_space<vmem>>, %arg6: memref<2x1280x32xf32, #tpu.memory_space<vmem>>, %arg7: memref<!tpu.dma_semaphore, #tpu.memory_space<semaphore_mem>>, %arg8: memref<!tpu.dma_semaphore, #tpu.memory_space<semaphore_mem>>, %arg9: memref<!tpu.dma_semaphore, #tpu.memory_space<semaphore_mem>>, %arg10: memref<!tpu.dma_semaphore, #tpu.memory_space<semaphore_mem>>) attributes {dimension_semantics = [#tpu.dimension_semantics<core_parallel>, #tpu.dimension_semantics<subcore_parallel>], iteration_bounds = array<i64: 2, 16>, scalar_prefetch = 0 : i64, scratch_operands = 6 : i64, tpu.core_type = #tpu.core_type<sc_vector_subcore>, window_params = [{transform_indices = #map}, {transform_indices = #map1}, {transform_indices = #map1}]} {
    %mul3A = arith.constant 2 : i32
    %mul3A_0 = arith.muli %arg1, %mul3A : i32
    %add3A = arith.addi %mul3A_0, %arg0 : i32
    "tpu.region"() ({
      %run_scoped3A = tpu.sem_alloc : memref<!tpu.dma_semaphore, #tpu.memory_space<semaphore_mem>>
      %dma_start3A_139 = arith.constant 0 : i32
      %dma_start3A_140 = arith.constant 0 : i32
      %dma_start3A_141 = tpu.memref_slice %arg2[%add3A, %dma_start3A_139, %dma_start3A_140] : memref<32x200x128xi32, #tpu.memory_space<hbm>> -> memref<1x200x128xi32, #tpu.memory_space<hbm>>
      %dma_start3A_142 = tpu.memref_squeeze %dma_start3A_141 : memref<1x200x128xi32, #tpu.memory_space<hbm>> -> memref<200x128xi32, #tpu.memory_space<hbm>>
      %dma_start3A_143 = arith.constant 0 : i32
      %dma_start3A_144 = arith.constant 0 : i32
      %dma_start3A_145 = tpu.memref_slice %arg2[%add3A, %dma_start3A_143, %dma_start3A_144] : memref<32x200x128xi32, #tpu.memory_space<hbm>> -> memref<1x200x128xi32, #tpu.memory_space<hbm>>
      %dma_start3A_146 = tpu.memref_squeeze %dma_start3A_145 : memref<1x200x128xi32, #tpu.memory_space<hbm>> -> memref<200x128xi32, #tpu.memory_space<hbm>>
      tpu.enqueue_dma source(%dma_start3A_146 : memref<200x128xi32, #tpu.memory_space<hbm>>) target(%arg5 : memref<200x128xi32, #tpu.memory_space<vmem>>) target_semaphore(%run_scoped3A : memref<!tpu.dma_semaphore, #tpu.memory_space<semaphore_mem>>)
      %dma_wait3A_147 = arith.constant 0 : i32
      %dma_wait3A_148 = arith.constant 0 : i32
      %dma_wait3A_149 = tpu.memref_slice %arg2[%add3A, %dma_wait3A_147, %dma_wait3A_148] : memref<32x200x128xi32, #tpu.memory_space<hbm>> -> memref<1x200x128xi32, #tpu.memory_space<hbm>>
      %dma_wait3A_150 = tpu.memref_squeeze %dma_wait3A_149 : memref<1x200x128xi32, #tpu.memory_space<hbm>> -> memref<200x128xi32, #tpu.memory_space<hbm>>
      %dma_wait3A_151 = arith.constant 0 : i32
      %dma_wait3A_152 = arith.constant 0 : i32
      %dma_wait3A_153 = tpu.memref_slice %arg2[%add3A, %dma_wait3A_151, %dma_wait3A_152] : memref<32x200x128xi32, #tpu.memory_space<hbm>> -> memref<1x200x128xi32, #tpu.memory_space<hbm>>
      %dma_wait3A_154 = tpu.memref_squeeze %dma_wait3A_153 : memref<1x200x128xi32, #tpu.memory_space<hbm>> -> memref<200x128xi32, #tpu.memory_space<hbm>>
      tpu.wait_dma2 semaphore(%run_scoped3A : memref<!tpu.dma_semaphore, #tpu.memory_space<semaphore_mem>>) src(%dma_wait3A_154 : memref<200x128xi32, #tpu.memory_space<hbm>>) dst(%arg5 : memref<200x128xi32, #tpu.memory_space<vmem>>)
      tpu.yield
    }) : () -> ()
    %mul3A_1 = arith.constant 25600 : i32
    %mul3A_2 = arith.muli %add3A, %mul3A_1 : i32
    %dma_start3A = arith.constant 0 : i32
    %dma_start3A_3 = arith.constant 0 : i32
    %dma_start3A_4 = arith.constant 0 : i32
    %dma_start3A_5 = arith.constant 0 : i32
    %dma_start3A_6 = tpu.memref_slice %arg6[%dma_start3A_3, %dma_start3A_4, %dma_start3A_5] : memref<2x1280x32xf32, #tpu.memory_space<vmem>> -> memref<1x128x32xf32, #tpu.memory_space<vmem>>
    %dma_start3A_7 = tpu.memref_squeeze %dma_start3A_6 : memref<1x128x32xf32, #tpu.memory_space<vmem>> -> memref<128x32xf32, #tpu.memory_space<vmem>>
    %dma_start3A_8 = arith.constant 0 : i32
    %dma_start3A_9 = tpu.memref_slice %arg5[%dma_start3A, %dma_start3A_8] : memref<200x128xi32, #tpu.memory_space<vmem>> -> memref<1x128xi32, #tpu.memory_space<vmem>>
    %dma_start3A_10 = tpu.memref_squeeze %dma_start3A_9 : memref<1x128xi32, #tpu.memory_space<vmem>> -> memref<128xi32, #tpu.memory_space<vmem>>
    %dma_start3A_11 = arith.constant 0 : i32
    %dma_start3A_12 = arith.constant 0 : i32
    %dma_start3A_13 = tpu.memref_slice %arg3[%dma_start3A_11, %dma_start3A_12] : memref<1000000x32xf32, #tpu.memory_space<hbm>> -> memref<1000000x32xf32, #tpu.memory_space<hbm>>
    tpu.enqueue_indirect_dma source(%dma_start3A_13 : memref<1000000x32xf32, #tpu.memory_space<hbm>>) target(%dma_start3A_7 : memref<128x32xf32, #tpu.memory_space<vmem>>) offsets(%dma_start3A_10 : memref<128xi32, #tpu.memory_space<vmem>>) semaphore(%arg7 : memref<!tpu.dma_semaphore, #tpu.memory_space<semaphore_mem>>)
    %dma_start3A_14 = arith.constant 1 : i32
    %dma_start3A_15 = arith.constant 0 : i32
    %dma_start3A_16 = arith.constant 128 : i32
    %dma_start3A_17 = arith.constant 0 : i32
    %dma_start3A_18 = tpu.memref_slice %arg6[%dma_start3A_15, %dma_start3A_16, %dma_start3A_17] : memref<2x1280x32xf32, #tpu.memory_space<vmem>> -> memref<1x128x32xf32, #tpu.memory_space<vmem>>
    %dma_start3A_19 = tpu.memref_squeeze %dma_start3A_18 : memref<1x128x32xf32, #tpu.memory_space<vmem>> -> memref<128x32xf32, #tpu.memory_space<vmem>>
    %dma_start3A_20 = arith.constant 0 : i32
    %dma_start3A_21 = tpu.memref_slice %arg5[%dma_start3A_14, %dma_start3A_20] : memref<200x128xi32, #tpu.memory_space<vmem>> -> memref<1x128xi32, #tpu.memory_space<vmem>>
    %dma_start3A_22 = tpu.memref_squeeze %dma_start3A_21 : memref<1x128xi32, #tpu.memory_space<vmem>> -> memref<128xi32, #tpu.memory_space<vmem>>
    %dma_start3A_23 = arith.constant 0 : i32
    %dma_start3A_24 = arith.constant 0 : i32
    %dma_start3A_25 = tpu.memref_slice %arg3[%dma_start3A_23, %dma_start3A_24] : memref<1000000x32xf32, #tpu.memory_space<hbm>> -> memref<1000000x32xf32, #tpu.memory_space<hbm>>
    tpu.enqueue_indirect_dma source(%dma_start3A_25 : memref<1000000x32xf32, #tpu.memory_space<hbm>>) target(%dma_start3A_19 : memref<128x32xf32, #tpu.memory_space<vmem>>) offsets(%dma_start3A_22 : memref<128xi32, #tpu.memory_space<vmem>>) semaphore(%arg7 : memref<!tpu.dma_semaphore, #tpu.memory_space<semaphore_mem>>)
    %dma_start3A_26 = arith.constant 2 : i32
    %dma_start3A_27 = arith.constant 0 : i32
    %dma_start3A_28 = arith.constant 256 : i32
    %dma_start3A_29 = arith.constant 0 : i32
    %dma_start3A_30 = tpu.memref_slice %arg6[%dma_start3A_27, %dma_start3A_28, %dma_start3A_29] : memref<2x1280x32xf32, #tpu.memory_space<vmem>> -> memref<1x128x32xf32, #tpu.memory_space<vmem>>
    %dma_start3A_31 = tpu.memref_squeeze %dma_start3A_30 : memref<1x128x32xf32, #tpu.memory_space<vmem>> -> memref<128x32xf32, #tpu.memory_space<vmem>>
    %dma_start3A_32 = arith.constant 0 : i32
    %dma_start3A_33 = tpu.memref_slice %arg5[%dma_start3A_26, %dma_start3A_32] : memref<200x128xi32, #tpu.memory_space<vmem>> -> memref<1x128xi32, #tpu.memory_space<vmem>>
    %dma_start3A_34 = tpu.memref_squeeze %dma_start3A_33 : memref<1x128xi32, #tpu.memory_space<vmem>> -> memref<128xi32, #tpu.memory_space<vmem>>
    %dma_start3A_35 = arith.constant 0 : i32
    %dma_start3A_36 = arith.constant 0 : i32
    %dma_start3A_37 = tpu.memref_slice %arg3[%dma_start3A_35, %dma_start3A_36] : memref<1000000x32xf32, #tpu.memory_space<hbm>> -> memref<1000000x32xf32, #tpu.memory_space<hbm>>
    tpu.enqueue_indirect_dma source(%dma_start3A_37 : memref<1000000x32xf32, #tpu.memory_space<hbm>>) target(%dma_start3A_31 : memref<128x32xf32, #tpu.memory_space<vmem>>) offsets(%dma_start3A_34 : memref<128xi32, #tpu.memory_space<vmem>>) semaphore(%arg7 : memref<!tpu.dma_semaphore, #tpu.memory_space<semaphore_mem>>)
    %dma_start3A_38 = arith.constant 3 : i32
    %dma_start3A_39 = arith.constant 0 : i32
    %dma_start3A_40 = arith.constant 384 : i32
    %dma_start3A_41 = arith.constant 0 : i32
    %dma_start3A_42 = tpu.memref_slice %arg6[%dma_start3A_39, %dma_start3A_40, %dma_start3A_41] : memref<2x1280x32xf32, #tpu.memory_space<vmem>> -> memref<1x128x32xf32, #tpu.memory_space<vmem>>
    %dma_start3A_43 = tpu.memref_squeeze %dma_start3A_42 : memref<1x128x32xf32, #tpu.memory_space<vmem>> -> memref<128x32xf32, #tpu.memory_space<vmem>>
    %dma_start3A_44 = arith.constant 0 : i32
    %dma_start3A_45 = tpu.memref_slice %arg5[%dma_start3A_38, %dma_start3A_44] : memref<200x128xi32, #tpu.memory_space<vmem>> -> memref<1x128xi32, #tpu.memory_space<vmem>>
    %dma_start3A_46 = tpu.memref_squeeze %dma_start3A_45 : memref<1x128xi32, #tpu.memory_space<vmem>> -> memref<128xi32, #tpu.memory_space<vmem>>
    %dma_start3A_47 = arith.constant 0 : i32
    %dma_start3A_48 = arith.constant 0 : i32
    %dma_start3A_49 = tpu.memref_slice %arg3[%dma_start3A_47, %dma_start3A_48] : memref<1000000x32xf32, #tpu.memory_space<hbm>> -> memref<1000000x32xf32, #tpu.memory_space<hbm>>
    tpu.enqueue_indirect_dma source(%dma_start3A_49 : memref<1000000x32xf32, #tpu.memory_space<hbm>>) target(%dma_start3A_43 : memref<128x32xf32, #tpu.memory_space<vmem>>) offsets(%dma_start3A_46 : memref<128xi32, #tpu.memory_space<vmem>>) semaphore(%arg7 : memref<!tpu.dma_semaphore, #tpu.memory_space<semaphore_mem>>)
    %dma_start3A_50 = arith.constant 4 : i32
    %dma_start3A_51 = arith.constant 0 : i32
    %dma_start3A_52 = arith.constant 512 : i32
    %dma_start3A_53 = arith.constant 0 : i32
    %dma_start3A_54 = tpu.memref_slice %arg6[%dma_start3A_51, %dma_start3A_52, %dma_start3A_53] : memref<2x1280x32xf32, #tpu.memory_space<vmem>> -> memref<1x128x32xf32, #tpu.memory_space<vmem>>
    %dma_start3A_55 = tpu.memref_squeeze %dma_start3A_54 : memref<1x128x32xf32, #tpu.memory_space<vmem>> -> memref<128x32xf32, #tpu.memory_space<vmem>>
    %dma_start3A_56 = arith.constant 0 : i32
    %dma_start3A_57 = tpu.memref_slice %arg5[%dma_start3A_50, %dma_start3A_56] : memref<200x128xi32, #tpu.memory_space<vmem>> -> memref<1x128xi32, #tpu.memory_space<vmem>>
    %dma_start3A_58 = tpu.memref_squeeze %dma_start3A_57 : memref<1x128xi32, #tpu.memory_space<vmem>> -> memref<128xi32, #tpu.memory_space<vmem>>
    %dma_start3A_59 = arith.constant 0 : i32
    %dma_start3A_60 = arith.constant 0 : i32
    %dma_start3A_61 = tpu.memref_slice %arg3[%dma_start3A_59, %dma_start3A_60] : memref<1000000x32xf32, #tpu.memory_space<hbm>> -> memref<1000000x32xf32, #tpu.memory_space<hbm>>
    tpu.enqueue_indirect_dma source(%dma_start3A_61 : memref<1000000x32xf32, #tpu.memory_space<hbm>>) target(%dma_start3A_55 : memref<128x32xf32, #tpu.memory_space<vmem>>) offsets(%dma_start3A_58 : memref<128xi32, #tpu.memory_space<vmem>>) semaphore(%arg7 : memref<!tpu.dma_semaphore, #tpu.memory_space<semaphore_mem>>)
    %dma_start3A_62 = arith.constant 5 : i32
    %dma_start3A_63 = arith.constant 0 : i32
    %dma_start3A_64 = arith.constant 640 : i32
    %dma_start3A_65 = arith.constant 0 : i32
    %dma_start3A_66 = tpu.memref_slice %arg6[%dma_start3A_63, %dma_start3A_64, %dma_start3A_65] : memref<2x1280x32xf32, #tpu.memory_space<vmem>> -> memref<1x128x32xf32, #tpu.memory_space<vmem>>
    %dma_start3A_67 = tpu.memref_squeeze %dma_start3A_66 : memref<1x128x32xf32, #tpu.memory_space<vmem>> -> memref<128x32xf32, #tpu.memory_space<vmem>>
    %dma_start3A_68 = arith.constant 0 : i32
    %dma_start3A_69 = tpu.memref_slice %arg5[%dma_start3A_62, %dma_start3A_68] : memref<200x128xi32, #tpu.memory_space<vmem>> -> memref<1x128xi32, #tpu.memory_space<vmem>>
    %dma_start3A_70 = tpu.memref_squeeze %dma_start3A_69 : memref<1x128xi32, #tpu.memory_space<vmem>> -> memref<128xi32, #tpu.memory_space<vmem>>
    %dma_start3A_71 = arith.constant 0 : i32
    %dma_start3A_72 = arith.constant 0 : i32
    %dma_start3A_73 = tpu.memref_slice %arg3[%dma_start3A_71, %dma_start3A_72] : memref<1000000x32xf32, #tpu.memory_space<hbm>> -> memref<1000000x32xf32, #tpu.memory_space<hbm>>
    tpu.enqueue_indirect_dma source(%dma_start3A_73 : memref<1000000x32xf32, #tpu.memory_space<hbm>>) target(%dma_start3A_67 : memref<128x32xf32, #tpu.memory_space<vmem>>) offsets(%dma_start3A_70 : memref<128xi32, #tpu.memory_space<vmem>>) semaphore(%arg7 : memref<!tpu.dma_semaphore, #tpu.memory_space<semaphore_mem>>)
    %dma_start3A_74 = arith.constant 6 : i32
    %dma_start3A_75 = arith.constant 0 : i32
    %dma_start3A_76 = arith.constant 768 : i32
    %dma_start3A_77 = arith.constant 0 : i32
    %dma_start3A_78 = tpu.memref_slice %arg6[%dma_start3A_75, %dma_start3A_76, %dma_start3A_77] : memref<2x1280x32xf32, #tpu.memory_space<vmem>> -> memref<1x128x32xf32, #tpu.memory_space<vmem>>
    %dma_start3A_79 = tpu.memref_squeeze %dma_start3A_78 : memref<1x128x32xf32, #tpu.memory_space<vmem>> -> memref<128x32xf32, #tpu.memory_space<vmem>>
    %dma_start3A_80 = arith.constant 0 : i32
    %dma_start3A_81 = tpu.memref_slice %arg5[%dma_start3A_74, %dma_start3A_80] : memref<200x128xi32, #tpu.memory_space<vmem>> -> memref<1x128xi32, #tpu.memory_space<vmem>>
    %dma_start3A_82 = tpu.memref_squeeze %dma_start3A_81 : memref<1x128xi32, #tpu.memory_space<vmem>> -> memref<128xi32, #tpu.memory_space<vmem>>
    %dma_start3A_83 = arith.constant 0 : i32
    %dma_start3A_84 = arith.constant 0 : i32
    %dma_start3A_85 = tpu.memref_slice %arg3[%dma_start3A_83, %dma_start3A_84] : memref<1000000x32xf32, #tpu.memory_space<hbm>> -> memref<1000000x32xf32, #tpu.memory_space<hbm>>
    tpu.enqueue_indirect_dma source(%dma_start3A_85 : memref<1000000x32xf32, #tpu.memory_space<hbm>>) target(%dma_start3A_79 : memref<128x32xf32, #tpu.memory_space<vmem>>) offsets(%dma_start3A_82 : memref<128xi32, #tpu.memory_space<vmem>>) semaphore(%arg7 : memref<!tpu.dma_semaphore, #tpu.memory_space<semaphore_mem>>)
    %dma_start3A_86 = arith.constant 7 : i32
    %dma_start3A_87 = arith.constant 0 : i32
    %dma_start3A_88 = arith.constant 896 : i32
    %dma_start3A_89 = arith.constant 0 : i32
    %dma_start3A_90 = tpu.memref_slice %arg6[%dma_start3A_87, %dma_start3A_88, %dma_start3A_89] : memref<2x1280x32xf32, #tpu.memory_space<vmem>> -> memref<1x128x32xf32, #tpu.memory_space<vmem>>
    %dma_start3A_91 = tpu.memref_squeeze %dma_start3A_90 : memref<1x128x32xf32, #tpu.memory_space<vmem>> -> memref<128x32xf32, #tpu.memory_space<vmem>>
    %dma_start3A_92 = arith.constant 0 : i32
    %dma_start3A_93 = tpu.memref_slice %arg5[%dma_start3A_86, %dma_start3A_92] : memref<200x128xi32, #tpu.memory_space<vmem>> -> memref<1x128xi32, #tpu.memory_space<vmem>>
    %dma_start3A_94 = tpu.memref_squeeze %dma_start3A_93 : memref<1x128xi32, #tpu.memory_space<vmem>> -> memref<128xi32, #tpu.memory_space<vmem>>
    %dma_start3A_95 = arith.constant 0 : i32
    %dma_start3A_96 = arith.constant 0 : i32
    %dma_start3A_97 = tpu.memref_slice %arg3[%dma_start3A_95, %dma_start3A_96] : memref<1000000x32xf32, #tpu.memory_space<hbm>> -> memref<1000000x32xf32, #tpu.memory_space<hbm>>
    tpu.enqueue_indirect_dma source(%dma_start3A_97 : memref<1000000x32xf32, #tpu.memory_space<hbm>>) target(%dma_start3A_91 : memref<128x32xf32, #tpu.memory_space<vmem>>) offsets(%dma_start3A_94 : memref<128xi32, #tpu.memory_space<vmem>>) semaphore(%arg7 : memref<!tpu.dma_semaphore, #tpu.memory_space<semaphore_mem>>)
    %dma_start3A_98 = arith.constant 8 : i32
    %dma_start3A_99 = arith.constant 0 : i32
    %dma_start3A_100 = arith.constant 1024 : i32
    %dma_start3A_101 = arith.constant 0 : i32
    %dma_start3A_102 = tpu.memref_slice %arg6[%dma_start3A_99, %dma_start3A_100, %dma_start3A_101] : memref<2x1280x32xf32, #tpu.memory_space<vmem>> -> memref<1x128x32xf32, #tpu.memory_space<vmem>>
    %dma_start3A_103 = tpu.memref_squeeze %dma_start3A_102 : memref<1x128x32xf32, #tpu.memory_space<vmem>> -> memref<128x32xf32, #tpu.memory_space<vmem>>
    %dma_start3A_104 = arith.constant 0 : i32
    %dma_start3A_105 = tpu.memref_slice %arg5[%dma_start3A_98, %dma_start3A_104] : memref<200x128xi32, #tpu.memory_space<vmem>> -> memref<1x128xi32, #tpu.memory_space<vmem>>
    %dma_start3A_106 = tpu.memref_squeeze %dma_start3A_105 : memref<1x128xi32, #tpu.memory_space<vmem>> -> memref<128xi32, #tpu.memory_space<vmem>>
    %dma_start3A_107 = arith.constant 0 : i32
    %dma_start3A_108 = arith.constant 0 : i32
    %dma_start3A_109 = tpu.memref_slice %arg3[%dma_start3A_107, %dma_start3A_108] : memref<1000000x32xf32, #tpu.memory_space<hbm>> -> memref<1000000x32xf32, #tpu.memory_space<hbm>>
    tpu.enqueue_indirect_dma source(%dma_start3A_109 : memref<1000000x32xf32, #tpu.memory_space<hbm>>) target(%dma_start3A_103 : memref<128x32xf32, #tpu.memory_space<vmem>>) offsets(%dma_start3A_106 : memref<128xi32, #tpu.memory_space<vmem>>) semaphore(%arg7 : memref<!tpu.dma_semaphore, #tpu.memory_space<semaphore_mem>>)
    %dma_start3A_110 = arith.constant 9 : i32
    %dma_start3A_111 = arith.constant 0 : i32
    %dma_start3A_112 = arith.constant 1152 : i32
    %dma_start3A_113 = arith.constant 0 : i32
    %dma_start3A_114 = tpu.memref_slice %arg6[%dma_start3A_111, %dma_start3A_112, %dma_start3A_113] : memref<2x1280x32xf32, #tpu.memory_space<vmem>> -> memref<1x128x32xf32, #tpu.memory_space<vmem>>
    %dma_start3A_115 = tpu.memref_squeeze %dma_start3A_114 : memref<1x128x32xf32, #tpu.memory_space<vmem>> -> memref<128x32xf32, #tpu.memory_space<vmem>>
    %dma_start3A_116 = arith.constant 0 : i32
    %dma_start3A_117 = tpu.memref_slice %arg5[%dma_start3A_110, %dma_start3A_116] : memref<200x128xi32, #tpu.memory_space<vmem>> -> memref<1x128xi32, #tpu.memory_space<vmem>>
    %dma_start3A_118 = tpu.memref_squeeze %dma_start3A_117 : memref<1x128xi32, #tpu.memory_space<vmem>> -> memref<128xi32, #tpu.memory_space<vmem>>
    %dma_start3A_119 = arith.constant 0 : i32
    %dma_start3A_120 = arith.constant 0 : i32
    %dma_start3A_121 = tpu.memref_slice %arg3[%dma_start3A_119, %dma_start3A_120] : memref<1000000x32xf32, #tpu.memory_space<hbm>> -> memref<1000000x32xf32, #tpu.memory_space<hbm>>
    tpu.enqueue_indirect_dma source(%dma_start3A_121 : memref<1000000x32xf32, #tpu.memory_space<hbm>>) target(%dma_start3A_115 : memref<128x32xf32, #tpu.memory_space<vmem>>) offsets(%dma_start3A_118 : memref<128xi32, #tpu.memory_space<vmem>>) semaphore(%arg7 : memref<!tpu.dma_semaphore, #tpu.memory_space<semaphore_mem>>)
    %scan3A = arith.constant 0 : i32
    %scan3A_122 = arith.constant 0 : i32
    %scan3A_123 = arith.constant 10 : i32
    %scan3A_124 = arith.addi %scan3A_122, %scan3A_123 : i32
    %scan3A_125 = arith.constant 1 : i32
    scf.for %scan3A_139 = %scan3A_122 to %scan3A_124 step %scan3A_125  : i32 {
      %mul3A_140 = arith.constant 2 : i32
      %mul3A_141 = arith.muli %mul3A_140, %scan3A_139 : i32
      %add3A_142 = arith.constant 1 : i32
      %add3A_143 = arith.addi %mul3A_141, %add3A_142 : i32
      %dma_wait3A_144 = arith.constant 0 : i32
      %dma_wait3A_145 = arith.constant 0 : i32
      %dma_wait3A_146 = arith.constant 0 : i32
      %dma_wait3A_147 = arith.constant 0 : i32
      %dma_wait3A_148 = tpu.memref_slice %arg6[%dma_wait3A_145, %dma_wait3A_146, %dma_wait3A_147] : memref<2x1280x32xf32, #tpu.memory_space<vmem>> -> memref<1x128x32xf32, #tpu.memory_space<vmem>>
      %dma_wait3A_149 = tpu.memref_squeeze %dma_wait3A_148 : memref<1x128x32xf32, #tpu.memory_space<vmem>> -> memref<128x32xf32, #tpu.memory_space<vmem>>
      %dma_wait3A_150 = arith.constant 0 : i32
      %dma_wait3A_151 = tpu.memref_slice %arg5[%dma_wait3A_144, %dma_wait3A_150] : memref<200x128xi32, #tpu.memory_space<vmem>> -> memref<1x128xi32, #tpu.memory_space<vmem>>
      %dma_wait3A_152 = tpu.memref_squeeze %dma_wait3A_151 : memref<1x128xi32, #tpu.memory_space<vmem>> -> memref<128xi32, #tpu.memory_space<vmem>>
      %dma_wait3A_153 = arith.constant 0 : i32
      %dma_wait3A_154 = arith.constant 0 : i32
      %dma_wait3A_155 = tpu.memref_slice %arg3[%dma_wait3A_153, %dma_wait3A_154] : memref<1000000x32xf32, #tpu.memory_space<hbm>> -> memref<1000000x32xf32, #tpu.memory_space<hbm>>
      tpu.wait_indirect_dma semaphore(%arg7 : memref<!tpu.dma_semaphore, #tpu.memory_space<semaphore_mem>>) src(%dma_wait3A_155 : memref<1000000x32xf32, #tpu.memory_space<hbm>>) dst(%dma_wait3A_149 : memref<128x32xf32, #tpu.memory_space<vmem>>)
      %dma_wait3A_156 = arith.constant 1 : i32
      %dma_wait3A_157 = arith.constant 0 : i32
      %dma_wait3A_158 = arith.constant 128 : i32
      %dma_wait3A_159 = arith.constant 0 : i32
      %dma_wait3A_160 = tpu.memref_slice %arg6[%dma_wait3A_157, %dma_wait3A_158, %dma_wait3A_159] : memref<2x1280x32xf32, #tpu.memory_space<vmem>> -> memref<1x128x32xf32, #tpu.memory_space<vmem>>
      %dma_wait3A_161 = tpu.memref_squeeze %dma_wait3A_160 : memref<1x128x32xf32, #tpu.memory_space<vmem>> -> memref<128x32xf32, #tpu.memory_space<vmem>>
      %dma_wait3A_162 = arith.constant 0 : i32
      %dma_wait3A_163 = tpu.memref_slice %arg5[%dma_wait3A_156, %dma_wait3A_162] : memref<200x128xi32, #tpu.memory_space<vmem>> -> memref<1x128xi32, #tpu.memory_space<vmem>>
      %dma_wait3A_164 = tpu.memref_squeeze %dma_wait3A_163 : memref<1x128xi32, #tpu.memory_space<vmem>> -> memref<128xi32, #tpu.memory_space<vmem>>
      %dma_wait3A_165 = arith.constant 0 : i32
      %dma_wait3A_166 = arith.constant 0 : i32
      %dma_wait3A_167 = tpu.memref_slice %arg3[%dma_wait3A_165, %dma_wait3A_166] : memref<1000000x32xf32, #tpu.memory_space<hbm>> -> memref<1000000x32xf32, #tpu.memory_space<hbm>>
      tpu.wait_indirect_dma semaphore(%arg7 : memref<!tpu.dma_semaphore, #tpu.memory_space<semaphore_mem>>) src(%dma_wait3A_167 : memref<1000000x32xf32, #tpu.memory_space<hbm>>) dst(%dma_wait3A_161 : memref<128x32xf32, #tpu.memory_space<vmem>>)
      %dma_wait3A_168 = arith.constant 2 : i32
      %dma_wait3A_169 = arith.constant 0 : i32
      %dma_wait3A_170 = arith.constant 256 : i32
      %dma_wait3A_171 = arith.constant 0 : i32
      %dma_wait3A_172 = tpu.memref_slice %arg6[%dma_wait3A_169, %dma_wait3A_170, %dma_wait3A_171] : memref<2x1280x32xf32, #tpu.memory_space<vmem>> -> memref<1x128x32xf32, #tpu.memory_space<vmem>>
      %dma_wait3A_173 = tpu.memref_squeeze %dma_wait3A_172 : memref<1x128x32xf32, #tpu.memory_space<vmem>> -> memref<128x32xf32, #tpu.memory_space<vmem>>
      %dma_wait3A_174 = arith.constant 0 : i32
      %dma_wait3A_175 = tpu.memref_slice %arg5[%dma_wait3A_168, %dma_wait3A_174] : memref<200x128xi32, #tpu.memory_space<vmem>> -> memref<1x128xi32, #tpu.memory_space<vmem>>
      %dma_wait3A_176 = tpu.memref_squeeze %dma_wait3A_175 : memref<1x128xi32, #tpu.memory_space<vmem>> -> memref<128xi32, #tpu.memory_space<vmem>>
      %dma_wait3A_177 = arith.constant 0 : i32
      %dma_wait3A_178 = arith.constant 0 : i32
      %dma_wait3A_179 = tpu.memref_slice %arg3[%dma_wait3A_177, %dma_wait3A_178] : memref<1000000x32xf32, #tpu.memory_space<hbm>> -> memref<1000000x32xf32, #tpu.memory_space<hbm>>
      tpu.wait_indirect_dma semaphore(%arg7 : memref<!tpu.dma_semaphore, #tpu.memory_space<semaphore_mem>>) src(%dma_wait3A_179 : memref<1000000x32xf32, #tpu.memory_space<hbm>>) dst(%dma_wait3A_173 : memref<128x32xf32, #tpu.memory_space<vmem>>)
      %dma_wait3A_180 = arith.constant 3 : i32
      %dma_wait3A_181 = arith.constant 0 : i32
      %dma_wait3A_182 = arith.constant 384 : i32
      %dma_wait3A_183 = arith.constant 0 : i32
      %dma_wait3A_184 = tpu.memref_slice %arg6[%dma_wait3A_181, %dma_wait3A_182, %dma_wait3A_183] : memref<2x1280x32xf32, #tpu.memory_space<vmem>> -> memref<1x128x32xf32, #tpu.memory_space<vmem>>
      %dma_wait3A_185 = tpu.memref_squeeze %dma_wait3A_184 : memref<1x128x32xf32, #tpu.memory_space<vmem>> -> memref<128x32xf32, #tpu.memory_space<vmem>>
      %dma_wait3A_186 = arith.constant 0 : i32
      %dma_wait3A_187 = tpu.memref_slice %arg5[%dma_wait3A_180, %dma_wait3A_186] : memref<200x128xi32, #tpu.memory_space<vmem>> -> memref<1x128xi32, #tpu.memory_space<vmem>>
      %dma_wait3A_188 = tpu.memref_squeeze %dma_wait3A_187 : memref<1x128xi32, #tpu.memory_space<vmem>> -> memref<128xi32, #tpu.memory_space<vmem>>
      %dma_wait3A_189 = arith.constant 0 : i32
      %dma_wait3A_190 = arith.constant 0 : i32
      %dma_wait3A_191 = tpu.memref_slice %arg3[%dma_wait3A_189, %dma_wait3A_190] : memref<1000000x32xf32, #tpu.memory_space<hbm>> -> memref<1000000x32xf32, #tpu.memory_space<hbm>>
      tpu.wait_indirect_dma semaphore(%arg7 : memref<!tpu.dma_semaphore, #tpu.memory_space<semaphore_mem>>) src(%dma_wait3A_191 : memref<1000000x32xf32, #tpu.memory_space<hbm>>) dst(%dma_wait3A_185 : memref<128x32xf32, #tpu.memory_space<vmem>>)
      %dma_wait3A_192 = arith.constant 4 : i32
      %dma_wait3A_193 = arith.constant 0 : i32
      %dma_wait3A_194 = arith.constant 512 : i32
      %dma_wait3A_195 = arith.constant 0 : i32
      %dma_wait3A_196 = tpu.memref_slice %arg6[%dma_wait3A_193, %dma_wait3A_194, %dma_wait3A_195] : memref<2x1280x32xf32, #tpu.memory_space<vmem>> -> memref<1x128x32xf32, #tpu.memory_space<vmem>>
      %dma_wait3A_197 = tpu.memref_squeeze %dma_wait3A_196 : memref<1x128x32xf32, #tpu.memory_space<vmem>> -> memref<128x32xf32, #tpu.memory_space<vmem>>
      %dma_wait3A_198 = arith.constant 0 : i32
      %dma_wait3A_199 = tpu.memref_slice %arg5[%dma_wait3A_192, %dma_wait3A_198] : memref<200x128xi32, #tpu.memory_space<vmem>> -> memref<1x128xi32, #tpu.memory_space<vmem>>
      %dma_wait3A_200 = tpu.memref_squeeze %dma_wait3A_199 : memref<1x128xi32, #tpu.memory_space<vmem>> -> memref<128xi32, #tpu.memory_space<vmem>>
      %dma_wait3A_201 = arith.constant 0 : i32
      %dma_wait3A_202 = arith.constant 0 : i32
      %dma_wait3A_203 = tpu.memref_slice %arg3[%dma_wait3A_201, %dma_wait3A_202] : memref<1000000x32xf32, #tpu.memory_space<hbm>> -> memref<1000000x32xf32, #tpu.memory_space<hbm>>
      tpu.wait_indirect_dma semaphore(%arg7 : memref<!tpu.dma_semaphore, #tpu.memory_space<semaphore_mem>>) src(%dma_wait3A_203 : memref<1000000x32xf32, #tpu.memory_space<hbm>>) dst(%dma_wait3A_197 : memref<128x32xf32, #tpu.memory_space<vmem>>)
      %dma_wait3A_204 = arith.constant 5 : i32
      %dma_wait3A_205 = arith.constant 0 : i32
      %dma_wait3A_206 = arith.constant 640 : i32
      %dma_wait3A_207 = arith.constant 0 : i32
      %dma_wait3A_208 = tpu.memref_slice %arg6[%dma_wait3A_205, %dma_wait3A_206, %dma_wait3A_207] : memref<2x1280x32xf32, #tpu.memory_space<vmem>> -> memref<1x128x32xf32, #tpu.memory_space<vmem>>
      %dma_wait3A_209 = tpu.memref_squeeze %dma_wait3A_208 : memref<1x128x32xf32, #tpu.memory_space<vmem>> -> memref<128x32xf32, #tpu.memory_space<vmem>>
      %dma_wait3A_210 = arith.constant 0 : i32
      %dma_wait3A_211 = tpu.memref_slice %arg5[%dma_wait3A_204, %dma_wait3A_210] : memref<200x128xi32, #tpu.memory_space<vmem>> -> memref<1x128xi32, #tpu.memory_space<vmem>>
      %dma_wait3A_212 = tpu.memref_squeeze %dma_wait3A_211 : memref<1x128xi32, #tpu.memory_space<vmem>> -> memref<128xi32, #tpu.memory_space<vmem>>
      %dma_wait3A_213 = arith.constant 0 : i32
      %dma_wait3A_214 = arith.constant 0 : i32
      %dma_wait3A_215 = tpu.memref_slice %arg3[%dma_wait3A_213, %dma_wait3A_214] : memref<1000000x32xf32, #tpu.memory_space<hbm>> -> memref<1000000x32xf32, #tpu.memory_space<hbm>>
      tpu.wait_indirect_dma semaphore(%arg7 : memref<!tpu.dma_semaphore, #tpu.memory_space<semaphore_mem>>) src(%dma_wait3A_215 : memref<1000000x32xf32, #tpu.memory_space<hbm>>) dst(%dma_wait3A_209 : memref<128x32xf32, #tpu.memory_space<vmem>>)
      %dma_wait3A_216 = arith.constant 6 : i32
      %dma_wait3A_217 = arith.constant 0 : i32
      %dma_wait3A_218 = arith.constant 768 : i32
      %dma_wait3A_219 = arith.constant 0 : i32
      %dma_wait3A_220 = tpu.memref_slice %arg6[%dma_wait3A_217, %dma_wait3A_218, %dma_wait3A_219] : memref<2x1280x32xf32, #tpu.memory_space<vmem>> -> memref<1x128x32xf32, #tpu.memory_space<vmem>>
      %dma_wait3A_221 = tpu.memref_squeeze %dma_wait3A_220 : memref<1x128x32xf32, #tpu.memory_space<vmem>> -> memref<128x32xf32, #tpu.memory_space<vmem>>
      %dma_wait3A_222 = arith.constant 0 : i32
      %dma_wait3A_223 = tpu.memref_slice %arg5[%dma_wait3A_216, %dma_wait3A_222] : memref<200x128xi32, #tpu.memory_space<vmem>> -> memref<1x128xi32, #tpu.memory_space<vmem>>
      %dma_wait3A_224 = tpu.memref_squeeze %dma_wait3A_223 : memref<1x128xi32, #tpu.memory_space<vmem>> -> memref<128xi32, #tpu.memory_space<vmem>>
      %dma_wait3A_225 = arith.constant 0 : i32
      %dma_wait3A_226 = arith.constant 0 : i32
      %dma_wait3A_227 = tpu.memref_slice %arg3[%dma_wait3A_225, %dma_wait3A_226] : memref<1000000x32xf32, #tpu.memory_space<hbm>> -> memref<1000000x32xf32, #tpu.memory_space<hbm>>
      tpu.wait_indirect_dma semaphore(%arg7 : memref<!tpu.dma_semaphore, #tpu.memory_space<semaphore_mem>>) src(%dma_wait3A_227 : memref<1000000x32xf32, #tpu.memory_space<hbm>>) dst(%dma_wait3A_221 : memref<128x32xf32, #tpu.memory_space<vmem>>)
      %dma_wait3A_228 = arith.constant 7 : i32
      %dma_wait3A_229 = arith.constant 0 : i32
      %dma_wait3A_230 = arith.constant 896 : i32
      %dma_wait3A_231 = arith.constant 0 : i32
      %dma_wait3A_232 = tpu.memref_slice %arg6[%dma_wait3A_229, %dma_wait3A_230, %dma_wait3A_231] : memref<2x1280x32xf32, #tpu.memory_space<vmem>> -> memref<1x128x32xf32, #tpu.memory_space<vmem>>
      %dma_wait3A_233 = tpu.memref_squeeze %dma_wait3A_232 : memref<1x128x32xf32, #tpu.memory_space<vmem>> -> memref<128x32xf32, #tpu.memory_space<vmem>>
      %dma_wait3A_234 = arith.constant 0 : i32
      %dma_wait3A_235 = tpu.memref_slice %arg5[%dma_wait3A_228, %dma_wait3A_234] : memref<200x128xi32, #tpu.memory_space<vmem>> -> memref<1x128xi32, #tpu.memory_space<vmem>>
      %dma_wait3A_236 = tpu.memref_squeeze %dma_wait3A_235 : memref<1x128xi32, #tpu.memory_space<vmem>> -> memref<128xi32, #tpu.memory_space<vmem>>
      %dma_wait3A_237 = arith.constant 0 : i32
      %dma_wait3A_238 = arith.constant 0 : i32
      %dma_wait3A_239 = tpu.memref_slice %arg3[%dma_wait3A_237, %dma_wait3A_238] : memref<1000000x32xf32, #tpu.memory_space<hbm>> -> memref<1000000x32xf32, #tpu.memory_space<hbm>>
      tpu.wait_indirect_dma semaphore(%arg7 : memref<!tpu.dma_semaphore, #tpu.memory_space<semaphore_mem>>) src(%dma_wait3A_239 : memref<1000000x32xf32, #tpu.memory_space<hbm>>) dst(%dma_wait3A_233 : memref<128x32xf32, #tpu.memory_space<vmem>>)
      %dma_wait3A_240 = arith.constant 8 : i32
      %dma_wait3A_241 = arith.constant 0 : i32
      %dma_wait3A_242 = arith.constant 1024 : i32
      %dma_wait3A_243 = arith.constant 0 : i32
      %dma_wait3A_244 = tpu.memref_slice %arg6[%dma_wait3A_241, %dma_wait3A_242, %dma_wait3A_243] : memref<2x1280x32xf32, #tpu.memory_space<vmem>> -> memref<1x128x32xf32, #tpu.memory_space<vmem>>
      %dma_wait3A_245 = tpu.memref_squeeze %dma_wait3A_244 : memref<1x128x32xf32, #tpu.memory_space<vmem>> -> memref<128x32xf32, #tpu.memory_space<vmem>>
      %dma_wait3A_246 = arith.constant 0 : i32
      %dma_wait3A_247 = tpu.memref_slice %arg5[%dma_wait3A_240, %dma_wait3A_246] : memref<200x128xi32, #tpu.memory_space<vmem>> -> memref<1x128xi32, #tpu.memory_space<vmem>>
      %dma_wait3A_248 = tpu.memref_squeeze %dma_wait3A_247 : memref<1x128xi32, #tpu.memory_space<vmem>> -> memref<128xi32, #tpu.memory_space<vmem>>
      %dma_wait3A_249 = arith.constant 0 : i32
      %dma_wait3A_250 = arith.constant 0 : i32
      %dma_wait3A_251 = tpu.memref_slice %arg3[%dma_wait3A_249, %dma_wait3A_250] : memref<1000000x32xf32, #tpu.memory_space<hbm>> -> memref<1000000x32xf32, #tpu.memory_space<hbm>>
      tpu.wait_indirect_dma semaphore(%arg7 : memref<!tpu.dma_semaphore, #tpu.memory_space<semaphore_mem>>) src(%dma_wait3A_251 : memref<1000000x32xf32, #tpu.memory_space<hbm>>) dst(%dma_wait3A_245 : memref<128x32xf32, #tpu.memory_space<vmem>>)
      %dma_wait3A_252 = arith.constant 9 : i32
      %dma_wait3A_253 = arith.constant 0 : i32
      %dma_wait3A_254 = arith.constant 1152 : i32
      %dma_wait3A_255 = arith.constant 0 : i32
      %dma_wait3A_256 = tpu.memref_slice %arg6[%dma_wait3A_253, %dma_wait3A_254, %dma_wait3A_255] : memref<2x1280x32xf32, #tpu.memory_space<vmem>> -> memref<1x128x32xf32, #tpu.memory_space<vmem>>
      %dma_wait3A_257 = tpu.memref_squeeze %dma_wait3A_256 : memref<1x128x32xf32, #tpu.memory_space<vmem>> -> memref<128x32xf32, #tpu.memory_space<vmem>>
      %dma_wait3A_258 = arith.constant 0 : i32
      %dma_wait3A_259 = tpu.memref_slice %arg5[%dma_wait3A_252, %dma_wait3A_258] : memref<200x128xi32, #tpu.memory_space<vmem>> -> memref<1x128xi32, #tpu.memory_space<vmem>>
      %dma_wait3A_260 = tpu.memref_squeeze %dma_wait3A_259 : memref<1x128xi32, #tpu.memory_space<vmem>> -> memref<128xi32, #tpu.memory_space<vmem>>
      %dma_wait3A_261 = arith.constant 0 : i32
      %dma_wait3A_262 = arith.constant 0 : i32
      %dma_wait3A_263 = tpu.memref_slice %arg3[%dma_wait3A_261, %dma_wait3A_262] : memref<1000000x32xf32, #tpu.memory_space<hbm>> -> memref<1000000x32xf32, #tpu.memory_space<hbm>>
      tpu.wait_indirect_dma semaphore(%arg7 : memref<!tpu.dma_semaphore, #tpu.memory_space<semaphore_mem>>) src(%dma_wait3A_263 : memref<1000000x32xf32, #tpu.memory_space<hbm>>) dst(%dma_wait3A_257 : memref<128x32xf32, #tpu.memory_space<vmem>>)
      %gt3A = arith.constant 0 : i32
      %gt3A_264 = arith.cmpi sgt, %scan3A_139, %gt3A : i32
      %convert_element_type3A = arith.extui %gt3A_264 : i1 to i32
      %cond3A = arith.constant 0 : i32
      %cond3A_265 = arith.cmpi ne, %convert_element_type3A, %cond3A : i32
      scf.if %cond3A_265 {
        %dma_wait3A_585 = arith.constant 1 : i32
        %dma_wait3A_586 = arith.constant 0 : i32
        %dma_wait3A_587 = arith.constant 0 : i32
        %dma_wait3A_588 = tpu.memref_slice %arg6[%dma_wait3A_585, %dma_wait3A_586, %dma_wait3A_587] : memref<2x1280x32xf32, #tpu.memory_space<vmem>> -> memref<1x1280x32xf32, #tpu.memory_space<vmem>>
        %dma_wait3A_589 = tpu.memref_squeeze %dma_wait3A_588 : memref<1x1280x32xf32, #tpu.memory_space<vmem>> -> memref<1280x32xf32, #tpu.memory_space<vmem>>
        %dma_wait3A_590 = arith.constant 0 : i32
        %dma_wait3A_591 = tpu.memref_slice %arg4[%mul3A_2, %dma_wait3A_590] : memref<819200x32xf32, #tpu.memory_space<hbm>> -> memref<1280x32xf32, #tpu.memory_space<hbm>>
        %dma_wait3A_592 = arith.constant 0 : i32
        %dma_wait3A_593 = tpu.memref_slice %arg4[%mul3A_2, %dma_wait3A_592] : memref<819200x32xf32, #tpu.memory_space<hbm>> -> memref<1280x32xf32, #tpu.memory_space<hbm>>
        %dma_wait3A_594 = arith.constant 0 : i32
        %dma_wait3A_595 = arith.constant 0 : i32
        %dma_wait3A_596 = tpu.memref_slice %arg6[%dma_wait3A_585, %dma_wait3A_594, %dma_wait3A_595] : memref<2x1280x32xf32, #tpu.memory_space<vmem>> -> memref<1x1280x32xf32, #tpu.memory_space<vmem>>
        %dma_wait3A_597 = tpu.memref_squeeze %dma_wait3A_596 : memref<1x1280x32xf32, #tpu.memory_space<vmem>> -> memref<1280x32xf32, #tpu.memory_space<vmem>>
        tpu.wait_dma2 semaphore(%arg10 : memref<!tpu.dma_semaphore, #tpu.memory_space<semaphore_mem>>) src(%dma_wait3A_597 : memref<1280x32xf32, #tpu.memory_space<vmem>>) dst(%dma_wait3A_593 : memref<1280x32xf32, #tpu.memory_space<hbm>>)
      } else {
      }
      %mul3A_266 = arith.constant 10 : i32
      %mul3A_267 = arith.muli %add3A_143, %mul3A_266 : i32
      %add3A_268 = arith.constant 0 : i32
      %add3A_269 = arith.addi %mul3A_267, %add3A_268 : i32
      %dma_start3A_270 = arith.constant 1 : i32
      %dma_start3A_271 = arith.constant 0 : i32
      %dma_start3A_272 = arith.constant 0 : i32
      %dma_start3A_273 = tpu.memref_slice %arg6[%dma_start3A_270, %dma_start3A_271, %dma_start3A_272] : memref<2x1280x32xf32, #tpu.memory_space<vmem>> -> memref<1x128x32xf32, #tpu.memory_space<vmem>>
      %dma_start3A_274 = tpu.memref_squeeze %dma_start3A_273 : memref<1x128x32xf32, #tpu.memory_space<vmem>> -> memref<128x32xf32, #tpu.memory_space<vmem>>
      %dma_start3A_275 = arith.constant 0 : i32
      %dma_start3A_276 = tpu.memref_slice %arg5[%add3A_269, %dma_start3A_275] : memref<200x128xi32, #tpu.memory_space<vmem>> -> memref<1x128xi32, #tpu.memory_space<vmem>>
      %dma_start3A_277 = tpu.memref_squeeze %dma_start3A_276 : memref<1x128xi32, #tpu.memory_space<vmem>> -> memref<128xi32, #tpu.memory_space<vmem>>
      %dma_start3A_278 = arith.constant 0 : i32
      %dma_start3A_279 = arith.constant 0 : i32
      %dma_start3A_280 = tpu.memref_slice %arg3[%dma_start3A_278, %dma_start3A_279] : memref<1000000x32xf32, #tpu.memory_space<hbm>> -> memref<1000000x32xf32, #tpu.memory_space<hbm>>
      tpu.enqueue_indirect_dma source(%dma_start3A_280 : memref<1000000x32xf32, #tpu.memory_space<hbm>>) target(%dma_start3A_274 : memref<128x32xf32, #tpu.memory_space<vmem>>) offsets(%dma_start3A_277 : memref<128xi32, #tpu.memory_space<vmem>>) semaphore(%arg8 : memref<!tpu.dma_semaphore, #tpu.memory_space<semaphore_mem>>)
      %mul3A_281 = arith.constant 10 : i32
      %mul3A_282 = arith.muli %add3A_143, %mul3A_281 : i32
      %add3A_283 = arith.constant 1 : i32
      %add3A_284 = arith.addi %mul3A_282, %add3A_283 : i32
      %dma_start3A_285 = arith.constant 1 : i32
      %dma_start3A_286 = arith.constant 128 : i32
      %dma_start3A_287 = arith.constant 0 : i32
      %dma_start3A_288 = tpu.memref_slice %arg6[%dma_start3A_285, %dma_start3A_286, %dma_start3A_287] : memref<2x1280x32xf32, #tpu.memory_space<vmem>> -> memref<1x128x32xf32, #tpu.memory_space<vmem>>
      %dma_start3A_289 = tpu.memref_squeeze %dma_start3A_288 : memref<1x128x32xf32, #tpu.memory_space<vmem>> -> memref<128x32xf32, #tpu.memory_space<vmem>>
      %dma_start3A_290 = arith.constant 0 : i32
      %dma_start3A_291 = tpu.memref_slice %arg5[%add3A_284, %dma_start3A_290] : memref<200x128xi32, #tpu.memory_space<vmem>> -> memref<1x128xi32, #tpu.memory_space<vmem>>
      %dma_start3A_292 = tpu.memref_squeeze %dma_start3A_291 : memref<1x128xi32, #tpu.memory_space<vmem>> -> memref<128xi32, #tpu.memory_space<vmem>>
      %dma_start3A_293 = arith.constant 0 : i32
      %dma_start3A_294 = arith.constant 0 : i32
      %dma_start3A_295 = tpu.memref_slice %arg3[%dma_start3A_293, %dma_start3A_294] : memref<1000000x32xf32, #tpu.memory_space<hbm>> -> memref<1000000x32xf32, #tpu.memory_space<hbm>>
      tpu.enqueue_indirect_dma source(%dma_start3A_295 : memref<1000000x32xf32, #tpu.memory_space<hbm>>) target(%dma_start3A_289 : memref<128x32xf32, #tpu.memory_space<vmem>>) offsets(%dma_start3A_292 : memref<128xi32, #tpu.memory_space<vmem>>) semaphore(%arg8 : memref<!tpu.dma_semaphore, #tpu.memory_space<semaphore_mem>>)
      %mul3A_296 = arith.constant 10 : i32
      %mul3A_297 = arith.muli %add3A_143, %mul3A_296 : i32
      %add3A_298 = arith.constant 2 : i32
      %add3A_299 = arith.addi %mul3A_297, %add3A_298 : i32
      %dma_start3A_300 = arith.constant 1 : i32
      %dma_start3A_301 = arith.constant 256 : i32
      %dma_start3A_302 = arith.constant 0 : i32
      %dma_start3A_303 = tpu.memref_slice %arg6[%dma_start3A_300, %dma_start3A_301, %dma_start3A_302] : memref<2x1280x32xf32, #tpu.memory_space<vmem>> -> memref<1x128x32xf32, #tpu.memory_space<vmem>>
      %dma_start3A_304 = tpu.memref_squeeze %dma_start3A_303 : memref<1x128x32xf32, #tpu.memory_space<vmem>> -> memref<128x32xf32, #tpu.memory_space<vmem>>
      %dma_start3A_305 = arith.constant 0 : i32
      %dma_start3A_306 = tpu.memref_slice %arg5[%add3A_299, %dma_start3A_305] : memref<200x128xi32, #tpu.memory_space<vmem>> -> memref<1x128xi32, #tpu.memory_space<vmem>>
      %dma_start3A_307 = tpu.memref_squeeze %dma_start3A_306 : memref<1x128xi32, #tpu.memory_space<vmem>> -> memref<128xi32, #tpu.memory_space<vmem>>
      %dma_start3A_308 = arith.constant 0 : i32
      %dma_start3A_309 = arith.constant 0 : i32
      %dma_start3A_310 = tpu.memref_slice %arg3[%dma_start3A_308, %dma_start3A_309] : memref<1000000x32xf32, #tpu.memory_space<hbm>> -> memref<1000000x32xf32, #tpu.memory_space<hbm>>
      tpu.enqueue_indirect_dma source(%dma_start3A_310 : memref<1000000x32xf32, #tpu.memory_space<hbm>>) target(%dma_start3A_304 : memref<128x32xf32, #tpu.memory_space<vmem>>) offsets(%dma_start3A_307 : memref<128xi32, #tpu.memory_space<vmem>>) semaphore(%arg8 : memref<!tpu.dma_semaphore, #tpu.memory_space<semaphore_mem>>)
      %mul3A_311 = arith.constant 10 : i32
      %mul3A_312 = arith.muli %add3A_143, %mul3A_311 : i32
      %add3A_313 = arith.constant 3 : i32
      %add3A_314 = arith.addi %mul3A_312, %add3A_313 : i32
      %dma_start3A_315 = arith.constant 1 : i32
      %dma_start3A_316 = arith.constant 384 : i32
      %dma_start3A_317 = arith.constant 0 : i32
      %dma_start3A_318 = tpu.memref_slice %arg6[%dma_start3A_315, %dma_start3A_316, %dma_start3A_317] : memref<2x1280x32xf32, #tpu.memory_space<vmem>> -> memref<1x128x32xf32, #tpu.memory_space<vmem>>
      %dma_start3A_319 = tpu.memref_squeeze %dma_start3A_318 : memref<1x128x32xf32, #tpu.memory_space<vmem>> -> memref<128x32xf32, #tpu.memory_space<vmem>>
      %dma_start3A_320 = arith.constant 0 : i32
      %dma_start3A_321 = tpu.memref_slice %arg5[%add3A_314, %dma_start3A_320] : memref<200x128xi32, #tpu.memory_space<vmem>> -> memref<1x128xi32, #tpu.memory_space<vmem>>
      %dma_start3A_322 = tpu.memref_squeeze %dma_start3A_321 : memref<1x128xi32, #tpu.memory_space<vmem>> -> memref<128xi32, #tpu.memory_space<vmem>>
      %dma_start3A_323 = arith.constant 0 : i32
      %dma_start3A_324 = arith.constant 0 : i32
      %dma_start3A_325 = tpu.memref_slice %arg3[%dma_start3A_323, %dma_start3A_324] : memref<1000000x32xf32, #tpu.memory_space<hbm>> -> memref<1000000x32xf32, #tpu.memory_space<hbm>>
      tpu.enqueue_indirect_dma source(%dma_start3A_325 : memref<1000000x32xf32, #tpu.memory_space<hbm>>) target(%dma_start3A_319 : memref<128x32xf32, #tpu.memory_space<vmem>>) offsets(%dma_start3A_322 : memref<128xi32, #tpu.memory_space<vmem>>) semaphore(%arg8 : memref<!tpu.dma_semaphore, #tpu.memory_space<semaphore_mem>>)
      %mul3A_326 = arith.constant 10 : i32
      %mul3A_327 = arith.muli %add3A_143, %mul3A_326 : i32
      %add3A_328 = arith.constant 4 : i32
      %add3A_329 = arith.addi %mul3A_327, %add3A_328 : i32
      %dma_start3A_330 = arith.constant 1 : i32
      %dma_start3A_331 = arith.constant 512 : i32
      %dma_start3A_332 = arith.constant 0 : i32
      %dma_start3A_333 = tpu.memref_slice %arg6[%dma_start3A_330, %dma_start3A_331, %dma_start3A_332] : memref<2x1280x32xf32, #tpu.memory_space<vmem>> -> memref<1x128x32xf32, #tpu.memory_space<vmem>>
      %dma_start3A_334 = tpu.memref_squeeze %dma_start3A_333 : memref<1x128x32xf32, #tpu.memory_space<vmem>> -> memref<128x32xf32, #tpu.memory_space<vmem>>
      %dma_start3A_335 = arith.constant 0 : i32
      %dma_start3A_336 = tpu.memref_slice %arg5[%add3A_329, %dma_start3A_335] : memref<200x128xi32, #tpu.memory_space<vmem>> -> memref<1x128xi32, #tpu.memory_space<vmem>>
      %dma_start3A_337 = tpu.memref_squeeze %dma_start3A_336 : memref<1x128xi32, #tpu.memory_space<vmem>> -> memref<128xi32, #tpu.memory_space<vmem>>
      %dma_start3A_338 = arith.constant 0 : i32
      %dma_start3A_339 = arith.constant 0 : i32
      %dma_start3A_340 = tpu.memref_slice %arg3[%dma_start3A_338, %dma_start3A_339] : memref<1000000x32xf32, #tpu.memory_space<hbm>> -> memref<1000000x32xf32, #tpu.memory_space<hbm>>
      tpu.enqueue_indirect_dma source(%dma_start3A_340 : memref<1000000x32xf32, #tpu.memory_space<hbm>>) target(%dma_start3A_334 : memref<128x32xf32, #tpu.memory_space<vmem>>) offsets(%dma_start3A_337 : memref<128xi32, #tpu.memory_space<vmem>>) semaphore(%arg8 : memref<!tpu.dma_semaphore, #tpu.memory_space<semaphore_mem>>)
      %mul3A_341 = arith.constant 10 : i32
      %mul3A_342 = arith.muli %add3A_143, %mul3A_341 : i32
      %add3A_343 = arith.constant 5 : i32
      %add3A_344 = arith.addi %mul3A_342, %add3A_343 : i32
      %dma_start3A_345 = arith.constant 1 : i32
      %dma_start3A_346 = arith.constant 640 : i32
      %dma_start3A_347 = arith.constant 0 : i32
      %dma_start3A_348 = tpu.memref_slice %arg6[%dma_start3A_345, %dma_start3A_346, %dma_start3A_347] : memref<2x1280x32xf32, #tpu.memory_space<vmem>> -> memref<1x128x32xf32, #tpu.memory_space<vmem>>
      %dma_start3A_349 = tpu.memref_squeeze %dma_start3A_348 : memref<1x128x32xf32, #tpu.memory_space<vmem>> -> memref<128x32xf32, #tpu.memory_space<vmem>>
      %dma_start3A_350 = arith.constant 0 : i32
      %dma_start3A_351 = tpu.memref_slice %arg5[%add3A_344, %dma_start3A_350] : memref<200x128xi32, #tpu.memory_space<vmem>> -> memref<1x128xi32, #tpu.memory_space<vmem>>
      %dma_start3A_352 = tpu.memref_squeeze %dma_start3A_351 : memref<1x128xi32, #tpu.memory_space<vmem>> -> memref<128xi32, #tpu.memory_space<vmem>>
      %dma_start3A_353 = arith.constant 0 : i32
      %dma_start3A_354 = arith.constant 0 : i32
      %dma_start3A_355 = tpu.memref_slice %arg3[%dma_start3A_353, %dma_start3A_354] : memref<1000000x32xf32, #tpu.memory_space<hbm>> -> memref<1000000x32xf32, #tpu.memory_space<hbm>>
      tpu.enqueue_indirect_dma source(%dma_start3A_355 : memref<1000000x32xf32, #tpu.memory_space<hbm>>) target(%dma_start3A_349 : memref<128x32xf32, #tpu.memory_space<vmem>>) offsets(%dma_start3A_352 : memref<128xi32, #tpu.memory_space<vmem>>) semaphore(%arg8 : memref<!tpu.dma_semaphore, #tpu.memory_space<semaphore_mem>>)
      %mul3A_356 = arith.constant 10 : i32
      %mul3A_357 = arith.muli %add3A_143, %mul3A_356 : i32
      %add3A_358 = arith.constant 6 : i32
      %add3A_359 = arith.addi %mul3A_357, %add3A_358 : i32
      %dma_start3A_360 = arith.constant 1 : i32
      %dma_start3A_361 = arith.constant 768 : i32
      %dma_start3A_362 = arith.constant 0 : i32
      %dma_start3A_363 = tpu.memref_slice %arg6[%dma_start3A_360, %dma_start3A_361, %dma_start3A_362] : memref<2x1280x32xf32, #tpu.memory_space<vmem>> -> memref<1x128x32xf32, #tpu.memory_space<vmem>>
      %dma_start3A_364 = tpu.memref_squeeze %dma_start3A_363 : memref<1x128x32xf32, #tpu.memory_space<vmem>> -> memref<128x32xf32, #tpu.memory_space<vmem>>
      %dma_start3A_365 = arith.constant 0 : i32
      %dma_start3A_366 = tpu.memref_slice %arg5[%add3A_359, %dma_start3A_365] : memref<200x128xi32, #tpu.memory_space<vmem>> -> memref<1x128xi32, #tpu.memory_space<vmem>>
      %dma_start3A_367 = tpu.memref_squeeze %dma_start3A_366 : memref<1x128xi32, #tpu.memory_space<vmem>> -> memref<128xi32, #tpu.memory_space<vmem>>
      %dma_start3A_368 = arith.constant 0 : i32
      %dma_start3A_369 = arith.constant 0 : i32
      %dma_start3A_370 = tpu.memref_slice %arg3[%dma_start3A_368, %dma_start3A_369] : memref<1000000x32xf32, #tpu.memory_space<hbm>> -> memref<1000000x32xf32, #tpu.memory_space<hbm>>
      tpu.enqueue_indirect_dma source(%dma_start3A_370 : memref<1000000x32xf32, #tpu.memory_space<hbm>>) target(%dma_start3A_364 : memref<128x32xf32, #tpu.memory_space<vmem>>) offsets(%dma_start3A_367 : memref<128xi32, #tpu.memory_space<vmem>>) semaphore(%arg8 : memref<!tpu.dma_semaphore, #tpu.memory_space<semaphore_mem>>)
      %mul3A_371 = arith.constant 10 : i32
      %mul3A_372 = arith.muli %add3A_143, %mul3A_371 : i32
      %add3A_373 = arith.constant 7 : i32
      %add3A_374 = arith.addi %mul3A_372, %add3A_373 : i32
      %dma_start3A_375 = arith.constant 1 : i32
      %dma_start3A_376 = arith.constant 896 : i32
      %dma_start3A_377 = arith.constant 0 : i32
      %dma_start3A_378 = tpu.memref_slice %arg6[%dma_start3A_375, %dma_start3A_376, %dma_start3A_377] : memref<2x1280x32xf32, #tpu.memory_space<vmem>> -> memref<1x128x32xf32, #tpu.memory_space<vmem>>
      %dma_start3A_379 = tpu.memref_squeeze %dma_start3A_378 : memref<1x128x32xf32, #tpu.memory_space<vmem>> -> memref<128x32xf32, #tpu.memory_space<vmem>>
      %dma_start3A_380 = arith.constant 0 : i32
      %dma_start3A_381 = tpu.memref_slice %arg5[%add3A_374, %dma_start3A_380] : memref<200x128xi32, #tpu.memory_space<vmem>> -> memref<1x128xi32, #tpu.memory_space<vmem>>
      %dma_start3A_382 = tpu.memref_squeeze %dma_start3A_381 : memref<1x128xi32, #tpu.memory_space<vmem>> -> memref<128xi32, #tpu.memory_space<vmem>>
      %dma_start3A_383 = arith.constant 0 : i32
      %dma_start3A_384 = arith.constant 0 : i32
      %dma_start3A_385 = tpu.memref_slice %arg3[%dma_start3A_383, %dma_start3A_384] : memref<1000000x32xf32, #tpu.memory_space<hbm>> -> memref<1000000x32xf32, #tpu.memory_space<hbm>>
      tpu.enqueue_indirect_dma source(%dma_start3A_385 : memref<1000000x32xf32, #tpu.memory_space<hbm>>) target(%dma_start3A_379 : memref<128x32xf32, #tpu.memory_space<vmem>>) offsets(%dma_start3A_382 : memref<128xi32, #tpu.memory_space<vmem>>) semaphore(%arg8 : memref<!tpu.dma_semaphore, #tpu.memory_space<semaphore_mem>>)
      %mul3A_386 = arith.constant 10 : i32
      %mul3A_387 = arith.muli %add3A_143, %mul3A_386 : i32
      %add3A_388 = arith.constant 8 : i32
      %add3A_389 = arith.addi %mul3A_387, %add3A_388 : i32
      %dma_start3A_390 = arith.constant 1 : i32
      %dma_start3A_391 = arith.constant 1024 : i32
      %dma_start3A_392 = arith.constant 0 : i32
      %dma_start3A_393 = tpu.memref_slice %arg6[%dma_start3A_390, %dma_start3A_391, %dma_start3A_392] : memref<2x1280x32xf32, #tpu.memory_space<vmem>> -> memref<1x128x32xf32, #tpu.memory_space<vmem>>
      %dma_start3A_394 = tpu.memref_squeeze %dma_start3A_393 : memref<1x128x32xf32, #tpu.memory_space<vmem>> -> memref<128x32xf32, #tpu.memory_space<vmem>>
      %dma_start3A_395 = arith.constant 0 : i32
      %dma_start3A_396 = tpu.memref_slice %arg5[%add3A_389, %dma_start3A_395] : memref<200x128xi32, #tpu.memory_space<vmem>> -> memref<1x128xi32, #tpu.memory_space<vmem>>
      %dma_start3A_397 = tpu.memref_squeeze %dma_start3A_396 : memref<1x128xi32, #tpu.memory_space<vmem>> -> memref<128xi32, #tpu.memory_space<vmem>>
      %dma_start3A_398 = arith.constant 0 : i32
      %dma_start3A_399 = arith.constant 0 : i32
      %dma_start3A_400 = tpu.memref_slice %arg3[%dma_start3A_398, %dma_start3A_399] : memref<1000000x32xf32, #tpu.memory_space<hbm>> -> memref<1000000x32xf32, #tpu.memory_space<hbm>>
      tpu.enqueue_indirect_dma source(%dma_start3A_400 : memref<1000000x32xf32, #tpu.memory_space<hbm>>) target(%dma_start3A_394 : memref<128x32xf32, #tpu.memory_space<vmem>>) offsets(%dma_start3A_397 : memref<128xi32, #tpu.memory_space<vmem>>) semaphore(%arg8 : memref<!tpu.dma_semaphore, #tpu.memory_space<semaphore_mem>>)
      %mul3A_401 = arith.constant 10 : i32
      %mul3A_402 = arith.muli %add3A_143, %mul3A_401 : i32
      %add3A_403 = arith.constant 9 : i32
      %add3A_404 = arith.addi %mul3A_402, %add3A_403 : i32
      %dma_start3A_405 = arith.constant 1 : i32
      %dma_start3A_406 = arith.constant 1152 : i32
      %dma_start3A_407 = arith.constant 0 : i32
      %dma_start3A_408 = tpu.memref_slice %arg6[%dma_start3A_405, %dma_start3A_406, %dma_start3A_407] : memref<2x1280x32xf32, #tpu.memory_space<vmem>> -> memref<1x128x32xf32, #tpu.memory_space<vmem>>
      %dma_start3A_409 = tpu.memref_squeeze %dma_start3A_408 : memref<1x128x32xf32, #tpu.memory_space<vmem>> -> memref<128x32xf32, #tpu.memory_space<vmem>>
      %dma_start3A_410 = arith.constant 0 : i32
      %dma_start3A_411 = tpu.memref_slice %arg5[%add3A_404, %dma_start3A_410] : memref<200x128xi32, #tpu.memory_space<vmem>> -> memref<1x128xi32, #tpu.memory_space<vmem>>
      %dma_start3A_412 = tpu.memref_squeeze %dma_start3A_411 : memref<1x128xi32, #tpu.memory_space<vmem>> -> memref<128xi32, #tpu.memory_space<vmem>>
      %dma_start3A_413 = arith.constant 0 : i32
      %dma_start3A_414 = arith.constant 0 : i32
      %dma_start3A_415 = tpu.memref_slice %arg3[%dma_start3A_413, %dma_start3A_414] : memref<1000000x32xf32, #tpu.memory_space<hbm>> -> memref<1000000x32xf32, #tpu.memory_space<hbm>>
      tpu.enqueue_indirect_dma source(%dma_start3A_415 : memref<1000000x32xf32, #tpu.memory_space<hbm>>) target(%dma_start3A_409 : memref<128x32xf32, #tpu.memory_space<vmem>>) offsets(%dma_start3A_412 : memref<128xi32, #tpu.memory_space<vmem>>) semaphore(%arg8 : memref<!tpu.dma_semaphore, #tpu.memory_space<semaphore_mem>>)
      %mul3A_416 = arith.constant 1280 : i32
      %mul3A_417 = arith.muli %mul3A_141, %mul3A_416 : i32
      %add3A_418 = arith.addi %mul3A_2, %mul3A_417 : i32
      %dma_start3A_419 = arith.constant 0 : i32
      %dma_start3A_420 = arith.constant 0 : i32
      %dma_start3A_421 = arith.constant 0 : i32
      %dma_start3A_422 = tpu.memref_slice %arg6[%dma_start3A_419, %dma_start3A_420, %dma_start3A_421] : memref<2x1280x32xf32, #tpu.memory_space<vmem>> -> memref<1x1280x32xf32, #tpu.memory_space<vmem>>
      %dma_start3A_423 = tpu.memref_squeeze %dma_start3A_422 : memref<1x1280x32xf32, #tpu.memory_space<vmem>> -> memref<1280x32xf32, #tpu.memory_space<vmem>>
      %dma_start3A_424 = arith.constant 0 : i32
      %dma_start3A_425 = tpu.memref_slice %arg4[%add3A_418, %dma_start3A_424] : memref<819200x32xf32, #tpu.memory_space<hbm>> -> memref<1280x32xf32, #tpu.memory_space<hbm>>
      %dma_start3A_426 = arith.constant 0 : i32
      %dma_start3A_427 = tpu.memref_slice %arg4[%add3A_418, %dma_start3A_426] : memref<819200x32xf32, #tpu.memory_space<hbm>> -> memref<1280x32xf32, #tpu.memory_space<hbm>>
      %dma_start3A_428 = arith.constant 0 : i32
      %dma_start3A_429 = arith.constant 0 : i32
      %dma_start3A_430 = tpu.memref_slice %arg6[%dma_start3A_419, %dma_start3A_428, %dma_start3A_429] : memref<2x1280x32xf32, #tpu.memory_space<vmem>> -> memref<1x1280x32xf32, #tpu.memory_space<vmem>>
      %dma_start3A_431 = tpu.memref_squeeze %dma_start3A_430 : memref<1x1280x32xf32, #tpu.memory_space<vmem>> -> memref<1280x32xf32, #tpu.memory_space<vmem>>
      tpu.enqueue_dma source(%dma_start3A_431 : memref<1280x32xf32, #tpu.memory_space<vmem>>) target(%dma_start3A_427 : memref<1280x32xf32, #tpu.memory_space<hbm>>) target_semaphore(%arg9 : memref<!tpu.dma_semaphore, #tpu.memory_space<semaphore_mem>>)
      %dma_wait3A_432 = arith.constant 0 : i32
      %dma_wait3A_433 = arith.constant 1 : i32
      %dma_wait3A_434 = arith.constant 0 : i32
      %dma_wait3A_435 = arith.constant 0 : i32
      %dma_wait3A_436 = tpu.memref_slice %arg6[%dma_wait3A_433, %dma_wait3A_434, %dma_wait3A_435] : memref<2x1280x32xf32, #tpu.memory_space<vmem>> -> memref<1x128x32xf32, #tpu.memory_space<vmem>>
      %dma_wait3A_437 = tpu.memref_squeeze %dma_wait3A_436 : memref<1x128x32xf32, #tpu.memory_space<vmem>> -> memref<128x32xf32, #tpu.memory_space<vmem>>
      %dma_wait3A_438 = arith.constant 0 : i32
      %dma_wait3A_439 = tpu.memref_slice %arg5[%dma_wait3A_432, %dma_wait3A_438] : memref<200x128xi32, #tpu.memory_space<vmem>> -> memref<1x128xi32, #tpu.memory_space<vmem>>
      %dma_wait3A_440 = tpu.memref_squeeze %dma_wait3A_439 : memref<1x128xi32, #tpu.memory_space<vmem>> -> memref<128xi32, #tpu.memory_space<vmem>>
      %dma_wait3A_441 = arith.constant 0 : i32
      %dma_wait3A_442 = arith.constant 0 : i32
      %dma_wait3A_443 = tpu.memref_slice %arg3[%dma_wait3A_441, %dma_wait3A_442] : memref<1000000x32xf32, #tpu.memory_space<hbm>> -> memref<1000000x32xf32, #tpu.memory_space<hbm>>
      tpu.wait_indirect_dma semaphore(%arg8 : memref<!tpu.dma_semaphore, #tpu.memory_space<semaphore_mem>>) src(%dma_wait3A_443 : memref<1000000x32xf32, #tpu.memory_space<hbm>>) dst(%dma_wait3A_437 : memref<128x32xf32, #tpu.memory_space<vmem>>)
      %dma_wait3A_444 = arith.constant 1 : i32
      %dma_wait3A_445 = arith.constant 1 : i32
      %dma_wait3A_446 = arith.constant 128 : i32
      %dma_wait3A_447 = arith.constant 0 : i32
      %dma_wait3A_448 = tpu.memref_slice %arg6[%dma_wait3A_445, %dma_wait3A_446, %dma_wait3A_447] : memref<2x1280x32xf32, #tpu.memory_space<vmem>> -> memref<1x128x32xf32, #tpu.memory_space<vmem>>
      %dma_wait3A_449 = tpu.memref_squeeze %dma_wait3A_448 : memref<1x128x32xf32, #tpu.memory_space<vmem>> -> memref<128x32xf32, #tpu.memory_space<vmem>>
      %dma_wait3A_450 = arith.constant 0 : i32
      %dma_wait3A_451 = tpu.memref_slice %arg5[%dma_wait3A_444, %dma_wait3A_450] : memref<200x128xi32, #tpu.memory_space<vmem>> -> memref<1x128xi32, #tpu.memory_space<vmem>>
      %dma_wait3A_452 = tpu.memref_squeeze %dma_wait3A_451 : memref<1x128xi32, #tpu.memory_space<vmem>> -> memref<128xi32, #tpu.memory_space<vmem>>
      %dma_wait3A_453 = arith.constant 0 : i32
      %dma_wait3A_454 = arith.constant 0 : i32
      %dma_wait3A_455 = tpu.memref_slice %arg3[%dma_wait3A_453, %dma_wait3A_454] : memref<1000000x32xf32, #tpu.memory_space<hbm>> -> memref<1000000x32xf32, #tpu.memory_space<hbm>>
      tpu.wait_indirect_dma semaphore(%arg8 : memref<!tpu.dma_semaphore, #tpu.memory_space<semaphore_mem>>) src(%dma_wait3A_455 : memref<1000000x32xf32, #tpu.memory_space<hbm>>) dst(%dma_wait3A_449 : memref<128x32xf32, #tpu.memory_space<vmem>>)
      %dma_wait3A_456 = arith.constant 2 : i32
      %dma_wait3A_457 = arith.constant 1 : i32
      %dma_wait3A_458 = arith.constant 256 : i32
      %dma_wait3A_459 = arith.constant 0 : i32
      %dma_wait3A_460 = tpu.memref_slice %arg6[%dma_wait3A_457, %dma_wait3A_458, %dma_wait3A_459] : memref<2x1280x32xf32, #tpu.memory_space<vmem>> -> memref<1x128x32xf32, #tpu.memory_space<vmem>>
      %dma_wait3A_461 = tpu.memref_squeeze %dma_wait3A_460 : memref<1x128x32xf32, #tpu.memory_space<vmem>> -> memref<128x32xf32, #tpu.memory_space<vmem>>
      %dma_wait3A_462 = arith.constant 0 : i32
      %dma_wait3A_463 = tpu.memref_slice %arg5[%dma_wait3A_456, %dma_wait3A_462] : memref<200x128xi32, #tpu.memory_space<vmem>> -> memref<1x128xi32, #tpu.memory_space<vmem>>
      %dma_wait3A_464 = tpu.memref_squeeze %dma_wait3A_463 : memref<1x128xi32, #tpu.memory_space<vmem>> -> memref<128xi32, #tpu.memory_space<vmem>>
      %dma_wait3A_465 = arith.constant 0 : i32
      %dma_wait3A_466 = arith.constant 0 : i32
      %dma_wait3A_467 = tpu.memref_slice %arg3[%dma_wait3A_465, %dma_wait3A_466] : memref<1000000x32xf32, #tpu.memory_space<hbm>> -> memref<1000000x32xf32, #tpu.memory_space<hbm>>
      tpu.wait_indirect_dma semaphore(%arg8 : memref<!tpu.dma_semaphore, #tpu.memory_space<semaphore_mem>>) src(%dma_wait3A_467 : memref<1000000x32xf32, #tpu.memory_space<hbm>>) dst(%dma_wait3A_461 : memref<128x32xf32, #tpu.memory_space<vmem>>)
      %dma_wait3A_468 = arith.constant 3 : i32
      %dma_wait3A_469 = arith.constant 1 : i32
      %dma_wait3A_470 = arith.constant 384 : i32
      %dma_wait3A_471 = arith.constant 0 : i32
      %dma_wait3A_472 = tpu.memref_slice %arg6[%dma_wait3A_469, %dma_wait3A_470, %dma_wait3A_471] : memref<2x1280x32xf32, #tpu.memory_space<vmem>> -> memref<1x128x32xf32, #tpu.memory_space<vmem>>
      %dma_wait3A_473 = tpu.memref_squeeze %dma_wait3A_472 : memref<1x128x32xf32, #tpu.memory_space<vmem>> -> memref<128x32xf32, #tpu.memory_space<vmem>>
      %dma_wait3A_474 = arith.constant 0 : i32
      %dma_wait3A_475 = tpu.memref_slice %arg5[%dma_wait3A_468, %dma_wait3A_474] : memref<200x128xi32, #tpu.memory_space<vmem>> -> memref<1x128xi32, #tpu.memory_space<vmem>>
      %dma_wait3A_476 = tpu.memref_squeeze %dma_wait3A_475 : memref<1x128xi32, #tpu.memory_space<vmem>> -> memref<128xi32, #tpu.memory_space<vmem>>
      %dma_wait3A_477 = arith.constant 0 : i32
      %dma_wait3A_478 = arith.constant 0 : i32
      %dma_wait3A_479 = tpu.memref_slice %arg3[%dma_wait3A_477, %dma_wait3A_478] : memref<1000000x32xf32, #tpu.memory_space<hbm>> -> memref<1000000x32xf32, #tpu.memory_space<hbm>>
      tpu.wait_indirect_dma semaphore(%arg8 : memref<!tpu.dma_semaphore, #tpu.memory_space<semaphore_mem>>) src(%dma_wait3A_479 : memref<1000000x32xf32, #tpu.memory_space<hbm>>) dst(%dma_wait3A_473 : memref<128x32xf32, #tpu.memory_space<vmem>>)
      %dma_wait3A_480 = arith.constant 4 : i32
      %dma_wait3A_481 = arith.constant 1 : i32
      %dma_wait3A_482 = arith.constant 512 : i32
      %dma_wait3A_483 = arith.constant 0 : i32
      %dma_wait3A_484 = tpu.memref_slice %arg6[%dma_wait3A_481, %dma_wait3A_482, %dma_wait3A_483] : memref<2x1280x32xf32, #tpu.memory_space<vmem>> -> memref<1x128x32xf32, #tpu.memory_space<vmem>>
      %dma_wait3A_485 = tpu.memref_squeeze %dma_wait3A_484 : memref<1x128x32xf32, #tpu.memory_space<vmem>> -> memref<128x32xf32, #tpu.memory_space<vmem>>
      %dma_wait3A_486 = arith.constant 0 : i32
      %dma_wait3A_487 = tpu.memref_slice %arg5[%dma_wait3A_480, %dma_wait3A_486] : memref<200x128xi32, #tpu.memory_space<vmem>> -> memref<1x128xi32, #tpu.memory_space<vmem>>
      %dma_wait3A_488 = tpu.memref_squeeze %dma_wait3A_487 : memref<1x128xi32, #tpu.memory_space<vmem>> -> memref<128xi32, #tpu.memory_space<vmem>>
      %dma_wait3A_489 = arith.constant 0 : i32
      %dma_wait3A_490 = arith.constant 0 : i32
      %dma_wait3A_491 = tpu.memref_slice %arg3[%dma_wait3A_489, %dma_wait3A_490] : memref<1000000x32xf32, #tpu.memory_space<hbm>> -> memref<1000000x32xf32, #tpu.memory_space<hbm>>
      tpu.wait_indirect_dma semaphore(%arg8 : memref<!tpu.dma_semaphore, #tpu.memory_space<semaphore_mem>>) src(%dma_wait3A_491 : memref<1000000x32xf32, #tpu.memory_space<hbm>>) dst(%dma_wait3A_485 : memref<128x32xf32, #tpu.memory_space<vmem>>)
      %dma_wait3A_492 = arith.constant 5 : i32
      %dma_wait3A_493 = arith.constant 1 : i32
      %dma_wait3A_494 = arith.constant 640 : i32
      %dma_wait3A_495 = arith.constant 0 : i32
      %dma_wait3A_496 = tpu.memref_slice %arg6[%dma_wait3A_493, %dma_wait3A_494, %dma_wait3A_495] : memref<2x1280x32xf32, #tpu.memory_space<vmem>> -> memref<1x128x32xf32, #tpu.memory_space<vmem>>
      %dma_wait3A_497 = tpu.memref_squeeze %dma_wait3A_496 : memref<1x128x32xf32, #tpu.memory_space<vmem>> -> memref<128x32xf32, #tpu.memory_space<vmem>>
      %dma_wait3A_498 = arith.constant 0 : i32
      %dma_wait3A_499 = tpu.memref_slice %arg5[%dma_wait3A_492, %dma_wait3A_498] : memref<200x128xi32, #tpu.memory_space<vmem>> -> memref<1x128xi32, #tpu.memory_space<vmem>>
      %dma_wait3A_500 = tpu.memref_squeeze %dma_wait3A_499 : memref<1x128xi32, #tpu.memory_space<vmem>> -> memref<128xi32, #tpu.memory_space<vmem>>
      %dma_wait3A_501 = arith.constant 0 : i32
      %dma_wait3A_502 = arith.constant 0 : i32
      %dma_wait3A_503 = tpu.memref_slice %arg3[%dma_wait3A_501, %dma_wait3A_502] : memref<1000000x32xf32, #tpu.memory_space<hbm>> -> memref<1000000x32xf32, #tpu.memory_space<hbm>>
      tpu.wait_indirect_dma semaphore(%arg8 : memref<!tpu.dma_semaphore, #tpu.memory_space<semaphore_mem>>) src(%dma_wait3A_503 : memref<1000000x32xf32, #tpu.memory_space<hbm>>) dst(%dma_wait3A_497 : memref<128x32xf32, #tpu.memory_space<vmem>>)
      %dma_wait3A_504 = arith.constant 6 : i32
      %dma_wait3A_505 = arith.constant 1 : i32
      %dma_wait3A_506 = arith.constant 768 : i32
      %dma_wait3A_507 = arith.constant 0 : i32
      %dma_wait3A_508 = tpu.memref_slice %arg6[%dma_wait3A_505, %dma_wait3A_506, %dma_wait3A_507] : memref<2x1280x32xf32, #tpu.memory_space<vmem>> -> memref<1x128x32xf32, #tpu.memory_space<vmem>>
      %dma_wait3A_509 = tpu.memref_squeeze %dma_wait3A_508 : memref<1x128x32xf32, #tpu.memory_space<vmem>> -> memref<128x32xf32, #tpu.memory_space<vmem>>
      %dma_wait3A_510 = arith.constant 0 : i32
      %dma_wait3A_511 = tpu.memref_slice %arg5[%dma_wait3A_504, %dma_wait3A_510] : memref<200x128xi32, #tpu.memory_space<vmem>> -> memref<1x128xi32, #tpu.memory_space<vmem>>
      %dma_wait3A_512 = tpu.memref_squeeze %dma_wait3A_511 : memref<1x128xi32, #tpu.memory_space<vmem>> -> memref<128xi32, #tpu.memory_space<vmem>>
      %dma_wait3A_513 = arith.constant 0 : i32
      %dma_wait3A_514 = arith.constant 0 : i32
      %dma_wait3A_515 = tpu.memref_slice %arg3[%dma_wait3A_513, %dma_wait3A_514] : memref<1000000x32xf32, #tpu.memory_space<hbm>> -> memref<1000000x32xf32, #tpu.memory_space<hbm>>
      tpu.wait_indirect_dma semaphore(%arg8 : memref<!tpu.dma_semaphore, #tpu.memory_space<semaphore_mem>>) src(%dma_wait3A_515 : memref<1000000x32xf32, #tpu.memory_space<hbm>>) dst(%dma_wait3A_509 : memref<128x32xf32, #tpu.memory_space<vmem>>)
      %dma_wait3A_516 = arith.constant 7 : i32
      %dma_wait3A_517 = arith.constant 1 : i32
      %dma_wait3A_518 = arith.constant 896 : i32
      %dma_wait3A_519 = arith.constant 0 : i32
      %dma_wait3A_520 = tpu.memref_slice %arg6[%dma_wait3A_517, %dma_wait3A_518, %dma_wait3A_519] : memref<2x1280x32xf32, #tpu.memory_space<vmem>> -> memref<1x128x32xf32, #tpu.memory_space<vmem>>
      %dma_wait3A_521 = tpu.memref_squeeze %dma_wait3A_520 : memref<1x128x32xf32, #tpu.memory_space<vmem>> -> memref<128x32xf32, #tpu.memory_space<vmem>>
      %dma_wait3A_522 = arith.constant 0 : i32
      %dma_wait3A_523 = tpu.memref_slice %arg5[%dma_wait3A_516, %dma_wait3A_522] : memref<200x128xi32, #tpu.memory_space<vmem>> -> memref<1x128xi32, #tpu.memory_space<vmem>>
      %dma_wait3A_524 = tpu.memref_squeeze %dma_wait3A_523 : memref<1x128xi32, #tpu.memory_space<vmem>> -> memref<128xi32, #tpu.memory_space<vmem>>
      %dma_wait3A_525 = arith.constant 0 : i32
      %dma_wait3A_526 = arith.constant 0 : i32
      %dma_wait3A_527 = tpu.memref_slice %arg3[%dma_wait3A_525, %dma_wait3A_526] : memref<1000000x32xf32, #tpu.memory_space<hbm>> -> memref<1000000x32xf32, #tpu.memory_space<hbm>>
      tpu.wait_indirect_dma semaphore(%arg8 : memref<!tpu.dma_semaphore, #tpu.memory_space<semaphore_mem>>) src(%dma_wait3A_527 : memref<1000000x32xf32, #tpu.memory_space<hbm>>) dst(%dma_wait3A_521 : memref<128x32xf32, #tpu.memory_space<vmem>>)
      %dma_wait3A_528 = arith.constant 8 : i32
      %dma_wait3A_529 = arith.constant 1 : i32
      %dma_wait3A_530 = arith.constant 1024 : i32
      %dma_wait3A_531 = arith.constant 0 : i32
      %dma_wait3A_532 = tpu.memref_slice %arg6[%dma_wait3A_529, %dma_wait3A_530, %dma_wait3A_531] : memref<2x1280x32xf32, #tpu.memory_space<vmem>> -> memref<1x128x32xf32, #tpu.memory_space<vmem>>
      %dma_wait3A_533 = tpu.memref_squeeze %dma_wait3A_532 : memref<1x128x32xf32, #tpu.memory_space<vmem>> -> memref<128x32xf32, #tpu.memory_space<vmem>>
      %dma_wait3A_534 = arith.constant 0 : i32
      %dma_wait3A_535 = tpu.memref_slice %arg5[%dma_wait3A_528, %dma_wait3A_534] : memref<200x128xi32, #tpu.memory_space<vmem>> -> memref<1x128xi32, #tpu.memory_space<vmem>>
      %dma_wait3A_536 = tpu.memref_squeeze %dma_wait3A_535 : memref<1x128xi32, #tpu.memory_space<vmem>> -> memref<128xi32, #tpu.memory_space<vmem>>
      %dma_wait3A_537 = arith.constant 0 : i32
      %dma_wait3A_538 = arith.constant 0 : i32
      %dma_wait3A_539 = tpu.memref_slice %arg3[%dma_wait3A_537, %dma_wait3A_538] : memref<1000000x32xf32, #tpu.memory_space<hbm>> -> memref<1000000x32xf32, #tpu.memory_space<hbm>>
      tpu.wait_indirect_dma semaphore(%arg8 : memref<!tpu.dma_semaphore, #tpu.memory_space<semaphore_mem>>) src(%dma_wait3A_539 : memref<1000000x32xf32, #tpu.memory_space<hbm>>) dst(%dma_wait3A_533 : memref<128x32xf32, #tpu.memory_space<vmem>>)
      %dma_wait3A_540 = arith.constant 9 : i32
      %dma_wait3A_541 = arith.constant 1 : i32
      %dma_wait3A_542 = arith.constant 1152 : i32
      %dma_wait3A_543 = arith.constant 0 : i32
      %dma_wait3A_544 = tpu.memref_slice %arg6[%dma_wait3A_541, %dma_wait3A_542, %dma_wait3A_543] : memref<2x1280x32xf32, #tpu.memory_space<vmem>> -> memref<1x128x32xf32, #tpu.memory_space<vmem>>
      %dma_wait3A_545 = tpu.memref_squeeze %dma_wait3A_544 : memref<1x128x32xf32, #tpu.memory_space<vmem>> -> memref<128x32xf32, #tpu.memory_space<vmem>>
      %dma_wait3A_546 = arith.constant 0 : i32
      %dma_wait3A_547 = tpu.memref_slice %arg5[%dma_wait3A_540, %dma_wait3A_546] : memref<200x128xi32, #tpu.memory_space<vmem>> -> memref<1x128xi32, #tpu.memory_space<vmem>>
      %dma_wait3A_548 = tpu.memref_squeeze %dma_wait3A_547 : memref<1x128xi32, #tpu.memory_space<vmem>> -> memref<128xi32, #tpu.memory_space<vmem>>
      %dma_wait3A_549 = arith.constant 0 : i32
      %dma_wait3A_550 = arith.constant 0 : i32
      %dma_wait3A_551 = tpu.memref_slice %arg3[%dma_wait3A_549, %dma_wait3A_550] : memref<1000000x32xf32, #tpu.memory_space<hbm>> -> memref<1000000x32xf32, #tpu.memory_space<hbm>>
      tpu.wait_indirect_dma semaphore(%arg8 : memref<!tpu.dma_semaphore, #tpu.memory_space<semaphore_mem>>) src(%dma_wait3A_551 : memref<1000000x32xf32, #tpu.memory_space<hbm>>) dst(%dma_wait3A_545 : memref<128x32xf32, #tpu.memory_space<vmem>>)
      %dma_wait3A_552 = arith.constant 0 : i32
      %dma_wait3A_553 = arith.constant 0 : i32
      %dma_wait3A_554 = arith.constant 0 : i32
      %dma_wait3A_555 = tpu.memref_slice %arg6[%dma_wait3A_552, %dma_wait3A_553, %dma_wait3A_554] : memref<2x1280x32xf32, #tpu.memory_space<vmem>> -> memref<1x1280x32xf32, #tpu.memory_space<vmem>>
      %dma_wait3A_556 = tpu.memref_squeeze %dma_wait3A_555 : memref<1x1280x32xf32, #tpu.memory_space<vmem>> -> memref<1280x32xf32, #tpu.memory_space<vmem>>
      %dma_wait3A_557 = arith.constant 0 : i32
      %dma_wait3A_558 = tpu.memref_slice %arg4[%mul3A_2, %dma_wait3A_557] : memref<819200x32xf32, #tpu.memory_space<hbm>> -> memref<1280x32xf32, #tpu.memory_space<hbm>>
      %dma_wait3A_559 = arith.constant 0 : i32
      %dma_wait3A_560 = tpu.memref_slice %arg4[%mul3A_2, %dma_wait3A_559] : memref<819200x32xf32, #tpu.memory_space<hbm>> -> memref<1280x32xf32, #tpu.memory_space<hbm>>
      %dma_wait3A_561 = arith.constant 0 : i32
      %dma_wait3A_562 = arith.constant 0 : i32
      %dma_wait3A_563 = tpu.memref_slice %arg6[%dma_wait3A_552, %dma_wait3A_561, %dma_wait3A_562] : memref<2x1280x32xf32, #tpu.memory_space<vmem>> -> memref<1x1280x32xf32, #tpu.memory_space<vmem>>
      %dma_wait3A_564 = tpu.memref_squeeze %dma_wait3A_563 : memref<1x1280x32xf32, #tpu.memory_space<vmem>> -> memref<1280x32xf32, #tpu.memory_space<vmem>>
      tpu.wait_dma2 semaphore(%arg9 : memref<!tpu.dma_semaphore, #tpu.memory_space<semaphore_mem>>) src(%dma_wait3A_564 : memref<1280x32xf32, #tpu.memory_space<vmem>>) dst(%dma_wait3A_560 : memref<1280x32xf32, #tpu.memory_space<hbm>>)
      %lt3A = arith.constant 9 : i32
      %lt3A_565 = arith.cmpi slt, %scan3A_139, %lt3A : i32
      %convert_element_type3A_566 = arith.extui %lt3A_565 : i1 to i32
      %cond3A_567 = arith.constant 0 : i32
      %cond3A_568 = arith.cmpi ne, %convert_element_type3A_566, %cond3A_567 : i32
      scf.if %cond3A_568 {
        %add3A_585 = arith.constant 2 : i32
        %add3A_586 = arith.addi %mul3A_141, %add3A_585 : i32
        %mul3A_587 = arith.constant 10 : i32
        %mul3A_588 = arith.muli %add3A_586, %mul3A_587 : i32
        %add3A_589 = arith.constant 0 : i32
        %add3A_590 = arith.addi %mul3A_588, %add3A_589 : i32
        %dma_start3A_591 = arith.constant 0 : i32
        %dma_start3A_592 = arith.constant 0 : i32
        %dma_start3A_593 = arith.constant 0 : i32
        %dma_start3A_594 = tpu.memref_slice %arg6[%dma_start3A_591, %dma_start3A_592, %dma_start3A_593] : memref<2x1280x32xf32, #tpu.memory_space<vmem>> -> memref<1x128x32xf32, #tpu.memory_space<vmem>>
        %dma_start3A_595 = tpu.memref_squeeze %dma_start3A_594 : memref<1x128x32xf32, #tpu.memory_space<vmem>> -> memref<128x32xf32, #tpu.memory_space<vmem>>
        %dma_start3A_596 = arith.constant 0 : i32
        %dma_start3A_597 = tpu.memref_slice %arg5[%add3A_590, %dma_start3A_596] : memref<200x128xi32, #tpu.memory_space<vmem>> -> memref<1x128xi32, #tpu.memory_space<vmem>>
        %dma_start3A_598 = tpu.memref_squeeze %dma_start3A_597 : memref<1x128xi32, #tpu.memory_space<vmem>> -> memref<128xi32, #tpu.memory_space<vmem>>
        %dma_start3A_599 = arith.constant 0 : i32
        %dma_start3A_600 = arith.constant 0 : i32
        %dma_start3A_601 = tpu.memref_slice %arg3[%dma_start3A_599, %dma_start3A_600] : memref<1000000x32xf32, #tpu.memory_space<hbm>> -> memref<1000000x32xf32, #tpu.memory_space<hbm>>
        tpu.enqueue_indirect_dma source(%dma_start3A_601 : memref<1000000x32xf32, #tpu.memory_space<hbm>>) target(%dma_start3A_595 : memref<128x32xf32, #tpu.memory_space<vmem>>) offsets(%dma_start3A_598 : memref<128xi32, #tpu.memory_space<vmem>>) semaphore(%arg7 : memref<!tpu.dma_semaphore, #tpu.memory_space<semaphore_mem>>)
        %mul3A_602 = arith.constant 10 : i32
        %mul3A_603 = arith.muli %add3A_586, %mul3A_602 : i32
        %add3A_604 = arith.constant 1 : i32
        %add3A_605 = arith.addi %mul3A_603, %add3A_604 : i32
        %dma_start3A_606 = arith.constant 0 : i32
        %dma_start3A_607 = arith.constant 128 : i32
        %dma_start3A_608 = arith.constant 0 : i32
        %dma_start3A_609 = tpu.memref_slice %arg6[%dma_start3A_606, %dma_start3A_607, %dma_start3A_608] : memref<2x1280x32xf32, #tpu.memory_space<vmem>> -> memref<1x128x32xf32, #tpu.memory_space<vmem>>
        %dma_start3A_610 = tpu.memref_squeeze %dma_start3A_609 : memref<1x128x32xf32, #tpu.memory_space<vmem>> -> memref<128x32xf32, #tpu.memory_space<vmem>>
        %dma_start3A_611 = arith.constant 0 : i32
        %dma_start3A_612 = tpu.memref_slice %arg5[%add3A_605, %dma_start3A_611] : memref<200x128xi32, #tpu.memory_space<vmem>> -> memref<1x128xi32, #tpu.memory_space<vmem>>
        %dma_start3A_613 = tpu.memref_squeeze %dma_start3A_612 : memref<1x128xi32, #tpu.memory_space<vmem>> -> memref<128xi32, #tpu.memory_space<vmem>>
        %dma_start3A_614 = arith.constant 0 : i32
        %dma_start3A_615 = arith.constant 0 : i32
        %dma_start3A_616 = tpu.memref_slice %arg3[%dma_start3A_614, %dma_start3A_615] : memref<1000000x32xf32, #tpu.memory_space<hbm>> -> memref<1000000x32xf32, #tpu.memory_space<hbm>>
        tpu.enqueue_indirect_dma source(%dma_start3A_616 : memref<1000000x32xf32, #tpu.memory_space<hbm>>) target(%dma_start3A_610 : memref<128x32xf32, #tpu.memory_space<vmem>>) offsets(%dma_start3A_613 : memref<128xi32, #tpu.memory_space<vmem>>) semaphore(%arg7 : memref<!tpu.dma_semaphore, #tpu.memory_space<semaphore_mem>>)
        %mul3A_617 = arith.constant 10 : i32
        %mul3A_618 = arith.muli %add3A_586, %mul3A_617 : i32
        %add3A_619 = arith.constant 2 : i32
        %add3A_620 = arith.addi %mul3A_618, %add3A_619 : i32
        %dma_start3A_621 = arith.constant 0 : i32
        %dma_start3A_622 = arith.constant 256 : i32
        %dma_start3A_623 = arith.constant 0 : i32
        %dma_start3A_624 = tpu.memref_slice %arg6[%dma_start3A_621, %dma_start3A_622, %dma_start3A_623] : memref<2x1280x32xf32, #tpu.memory_space<vmem>> -> memref<1x128x32xf32, #tpu.memory_space<vmem>>
        %dma_start3A_625 = tpu.memref_squeeze %dma_start3A_624 : memref<1x128x32xf32, #tpu.memory_space<vmem>> -> memref<128x32xf32, #tpu.memory_space<vmem>>
        %dma_start3A_626 = arith.constant 0 : i32
        %dma_start3A_627 = tpu.memref_slice %arg5[%add3A_620, %dma_start3A_626] : memref<200x128xi32, #tpu.memory_space<vmem>> -> memref<1x128xi32, #tpu.memory_space<vmem>>
        %dma_start3A_628 = tpu.memref_squeeze %dma_start3A_627 : memref<1x128xi32, #tpu.memory_space<vmem>> -> memref<128xi32, #tpu.memory_space<vmem>>
        %dma_start3A_629 = arith.constant 0 : i32
        %dma_start3A_630 = arith.constant 0 : i32
        %dma_start3A_631 = tpu.memref_slice %arg3[%dma_start3A_629, %dma_start3A_630] : memref<1000000x32xf32, #tpu.memory_space<hbm>> -> memref<1000000x32xf32, #tpu.memory_space<hbm>>
        tpu.enqueue_indirect_dma source(%dma_start3A_631 : memref<1000000x32xf32, #tpu.memory_space<hbm>>) target(%dma_start3A_625 : memref<128x32xf32, #tpu.memory_space<vmem>>) offsets(%dma_start3A_628 : memref<128xi32, #tpu.memory_space<vmem>>) semaphore(%arg7 : memref<!tpu.dma_semaphore, #tpu.memory_space<semaphore_mem>>)
        %mul3A_632 = arith.constant 10 : i32
        %mul3A_633 = arith.muli %add3A_586, %mul3A_632 : i32
        %add3A_634 = arith.constant 3 : i32
        %add3A_635 = arith.addi %mul3A_633, %add3A_634 : i32
        %dma_start3A_636 = arith.constant 0 : i32
        %dma_start3A_637 = arith.constant 384 : i32
        %dma_start3A_638 = arith.constant 0 : i32
        %dma_start3A_639 = tpu.memref_slice %arg6[%dma_start3A_636, %dma_start3A_637, %dma_start3A_638] : memref<2x1280x32xf32, #tpu.memory_space<vmem>> -> memref<1x128x32xf32, #tpu.memory_space<vmem>>
        %dma_start3A_640 = tpu.memref_squeeze %dma_start3A_639 : memref<1x128x32xf32, #tpu.memory_space<vmem>> -> memref<128x32xf32, #tpu.memory_space<vmem>>
        %dma_start3A_641 = arith.constant 0 : i32
        %dma_start3A_642 = tpu.memref_slice %arg5[%add3A_635, %dma_start3A_641] : memref<200x128xi32, #tpu.memory_space<vmem>> -> memref<1x128xi32, #tpu.memory_space<vmem>>
        %dma_start3A_643 = tpu.memref_squeeze %dma_start3A_642 : memref<1x128xi32, #tpu.memory_space<vmem>> -> memref<128xi32, #tpu.memory_space<vmem>>
        %dma_start3A_644 = arith.constant 0 : i32
        %dma_start3A_645 = arith.constant 0 : i32
        %dma_start3A_646 = tpu.memref_slice %arg3[%dma_start3A_644, %dma_start3A_645] : memref<1000000x32xf32, #tpu.memory_space<hbm>> -> memref<1000000x32xf32, #tpu.memory_space<hbm>>
        tpu.enqueue_indirect_dma source(%dma_start3A_646 : memref<1000000x32xf32, #tpu.memory_space<hbm>>) target(%dma_start3A_640 : memref<128x32xf32, #tpu.memory_space<vmem>>) offsets(%dma_start3A_643 : memref<128xi32, #tpu.memory_space<vmem>>) semaphore(%arg7 : memref<!tpu.dma_semaphore, #tpu.memory_space<semaphore_mem>>)
        %mul3A_647 = arith.constant 10 : i32
        %mul3A_648 = arith.muli %add3A_586, %mul3A_647 : i32
        %add3A_649 = arith.constant 4 : i32
        %add3A_650 = arith.addi %mul3A_648, %add3A_649 : i32
        %dma_start3A_651 = arith.constant 0 : i32
        %dma_start3A_652 = arith.constant 512 : i32
        %dma_start3A_653 = arith.constant 0 : i32
        %dma_start3A_654 = tpu.memref_slice %arg6[%dma_start3A_651, %dma_start3A_652, %dma_start3A_653] : memref<2x1280x32xf32, #tpu.memory_space<vmem>> -> memref<1x128x32xf32, #tpu.memory_space<vmem>>
        %dma_start3A_655 = tpu.memref_squeeze %dma_start3A_654 : memref<1x128x32xf32, #tpu.memory_space<vmem>> -> memref<128x32xf32, #tpu.memory_space<vmem>>
        %dma_start3A_656 = arith.constant 0 : i32
        %dma_start3A_657 = tpu.memref_slice %arg5[%add3A_650, %dma_start3A_656] : memref<200x128xi32, #tpu.memory_space<vmem>> -> memref<1x128xi32, #tpu.memory_space<vmem>>
        %dma_start3A_658 = tpu.memref_squeeze %dma_start3A_657 : memref<1x128xi32, #tpu.memory_space<vmem>> -> memref<128xi32, #tpu.memory_space<vmem>>
        %dma_start3A_659 = arith.constant 0 : i32
        %dma_start3A_660 = arith.constant 0 : i32
        %dma_start3A_661 = tpu.memref_slice %arg3[%dma_start3A_659, %dma_start3A_660] : memref<1000000x32xf32, #tpu.memory_space<hbm>> -> memref<1000000x32xf32, #tpu.memory_space<hbm>>
        tpu.enqueue_indirect_dma source(%dma_start3A_661 : memref<1000000x32xf32, #tpu.memory_space<hbm>>) target(%dma_start3A_655 : memref<128x32xf32, #tpu.memory_space<vmem>>) offsets(%dma_start3A_658 : memref<128xi32, #tpu.memory_space<vmem>>) semaphore(%arg7 : memref<!tpu.dma_semaphore, #tpu.memory_space<semaphore_mem>>)
        %mul3A_662 = arith.constant 10 : i32
        %mul3A_663 = arith.muli %add3A_586, %mul3A_662 : i32
        %add3A_664 = arith.constant 5 : i32
        %add3A_665 = arith.addi %mul3A_663, %add3A_664 : i32
        %dma_start3A_666 = arith.constant 0 : i32
        %dma_start3A_667 = arith.constant 640 : i32
        %dma_start3A_668 = arith.constant 0 : i32
        %dma_start3A_669 = tpu.memref_slice %arg6[%dma_start3A_666, %dma_start3A_667, %dma_start3A_668] : memref<2x1280x32xf32, #tpu.memory_space<vmem>> -> memref<1x128x32xf32, #tpu.memory_space<vmem>>
        %dma_start3A_670 = tpu.memref_squeeze %dma_start3A_669 : memref<1x128x32xf32, #tpu.memory_space<vmem>> -> memref<128x32xf32, #tpu.memory_space<vmem>>
        %dma_start3A_671 = arith.constant 0 : i32
        %dma_start3A_672 = tpu.memref_slice %arg5[%add3A_665, %dma_start3A_671] : memref<200x128xi32, #tpu.memory_space<vmem>> -> memref<1x128xi32, #tpu.memory_space<vmem>>
        %dma_start3A_673 = tpu.memref_squeeze %dma_start3A_672 : memref<1x128xi32, #tpu.memory_space<vmem>> -> memref<128xi32, #tpu.memory_space<vmem>>
        %dma_start3A_674 = arith.constant 0 : i32
        %dma_start3A_675 = arith.constant 0 : i32
        %dma_start3A_676 = tpu.memref_slice %arg3[%dma_start3A_674, %dma_start3A_675] : memref<1000000x32xf32, #tpu.memory_space<hbm>> -> memref<1000000x32xf32, #tpu.memory_space<hbm>>
        tpu.enqueue_indirect_dma source(%dma_start3A_676 : memref<1000000x32xf32, #tpu.memory_space<hbm>>) target(%dma_start3A_670 : memref<128x32xf32, #tpu.memory_space<vmem>>) offsets(%dma_start3A_673 : memref<128xi32, #tpu.memory_space<vmem>>) semaphore(%arg7 : memref<!tpu.dma_semaphore, #tpu.memory_space<semaphore_mem>>)
        %mul3A_677 = arith.constant 10 : i32
        %mul3A_678 = arith.muli %add3A_586, %mul3A_677 : i32
        %add3A_679 = arith.constant 6 : i32
        %add3A_680 = arith.addi %mul3A_678, %add3A_679 : i32
        %dma_start3A_681 = arith.constant 0 : i32
        %dma_start3A_682 = arith.constant 768 : i32
        %dma_start3A_683 = arith.constant 0 : i32
        %dma_start3A_684 = tpu.memref_slice %arg6[%dma_start3A_681, %dma_start3A_682, %dma_start3A_683] : memref<2x1280x32xf32, #tpu.memory_space<vmem>> -> memref<1x128x32xf32, #tpu.memory_space<vmem>>
        %dma_start3A_685 = tpu.memref_squeeze %dma_start3A_684 : memref<1x128x32xf32, #tpu.memory_space<vmem>> -> memref<128x32xf32, #tpu.memory_space<vmem>>
        %dma_start3A_686 = arith.constant 0 : i32
        %dma_start3A_687 = tpu.memref_slice %arg5[%add3A_680, %dma_start3A_686] : memref<200x128xi32, #tpu.memory_space<vmem>> -> memref<1x128xi32, #tpu.memory_space<vmem>>
        %dma_start3A_688 = tpu.memref_squeeze %dma_start3A_687 : memref<1x128xi32, #tpu.memory_space<vmem>> -> memref<128xi32, #tpu.memory_space<vmem>>
        %dma_start3A_689 = arith.constant 0 : i32
        %dma_start3A_690 = arith.constant 0 : i32
        %dma_start3A_691 = tpu.memref_slice %arg3[%dma_start3A_689, %dma_start3A_690] : memref<1000000x32xf32, #tpu.memory_space<hbm>> -> memref<1000000x32xf32, #tpu.memory_space<hbm>>
        tpu.enqueue_indirect_dma source(%dma_start3A_691 : memref<1000000x32xf32, #tpu.memory_space<hbm>>) target(%dma_start3A_685 : memref<128x32xf32, #tpu.memory_space<vmem>>) offsets(%dma_start3A_688 : memref<128xi32, #tpu.memory_space<vmem>>) semaphore(%arg7 : memref<!tpu.dma_semaphore, #tpu.memory_space<semaphore_mem>>)
        %mul3A_692 = arith.constant 10 : i32
        %mul3A_693 = arith.muli %add3A_586, %mul3A_692 : i32
        %add3A_694 = arith.constant 7 : i32
        %add3A_695 = arith.addi %mul3A_693, %add3A_694 : i32
        %dma_start3A_696 = arith.constant 0 : i32
        %dma_start3A_697 = arith.constant 896 : i32
        %dma_start3A_698 = arith.constant 0 : i32
        %dma_start3A_699 = tpu.memref_slice %arg6[%dma_start3A_696, %dma_start3A_697, %dma_start3A_698] : memref<2x1280x32xf32, #tpu.memory_space<vmem>> -> memref<1x128x32xf32, #tpu.memory_space<vmem>>
        %dma_start3A_700 = tpu.memref_squeeze %dma_start3A_699 : memref<1x128x32xf32, #tpu.memory_space<vmem>> -> memref<128x32xf32, #tpu.memory_space<vmem>>
        %dma_start3A_701 = arith.constant 0 : i32
        %dma_start3A_702 = tpu.memref_slice %arg5[%add3A_695, %dma_start3A_701] : memref<200x128xi32, #tpu.memory_space<vmem>> -> memref<1x128xi32, #tpu.memory_space<vmem>>
        %dma_start3A_703 = tpu.memref_squeeze %dma_start3A_702 : memref<1x128xi32, #tpu.memory_space<vmem>> -> memref<128xi32, #tpu.memory_space<vmem>>
        %dma_start3A_704 = arith.constant 0 : i32
        %dma_start3A_705 = arith.constant 0 : i32
        %dma_start3A_706 = tpu.memref_slice %arg3[%dma_start3A_704, %dma_start3A_705] : memref<1000000x32xf32, #tpu.memory_space<hbm>> -> memref<1000000x32xf32, #tpu.memory_space<hbm>>
        tpu.enqueue_indirect_dma source(%dma_start3A_706 : memref<1000000x32xf32, #tpu.memory_space<hbm>>) target(%dma_start3A_700 : memref<128x32xf32, #tpu.memory_space<vmem>>) offsets(%dma_start3A_703 : memref<128xi32, #tpu.memory_space<vmem>>) semaphore(%arg7 : memref<!tpu.dma_semaphore, #tpu.memory_space<semaphore_mem>>)
        %mul3A_707 = arith.constant 10 : i32
        %mul3A_708 = arith.muli %add3A_586, %mul3A_707 : i32
        %add3A_709 = arith.constant 8 : i32
        %add3A_710 = arith.addi %mul3A_708, %add3A_709 : i32
        %dma_start3A_711 = arith.constant 0 : i32
        %dma_start3A_712 = arith.constant 1024 : i32
        %dma_start3A_713 = arith.constant 0 : i32
        %dma_start3A_714 = tpu.memref_slice %arg6[%dma_start3A_711, %dma_start3A_712, %dma_start3A_713] : memref<2x1280x32xf32, #tpu.memory_space<vmem>> -> memref<1x128x32xf32, #tpu.memory_space<vmem>>
        %dma_start3A_715 = tpu.memref_squeeze %dma_start3A_714 : memref<1x128x32xf32, #tpu.memory_space<vmem>> -> memref<128x32xf32, #tpu.memory_space<vmem>>
        %dma_start3A_716 = arith.constant 0 : i32
        %dma_start3A_717 = tpu.memref_slice %arg5[%add3A_710, %dma_start3A_716] : memref<200x128xi32, #tpu.memory_space<vmem>> -> memref<1x128xi32, #tpu.memory_space<vmem>>
        %dma_start3A_718 = tpu.memref_squeeze %dma_start3A_717 : memref<1x128xi32, #tpu.memory_space<vmem>> -> memref<128xi32, #tpu.memory_space<vmem>>
        %dma_start3A_719 = arith.constant 0 : i32
        %dma_start3A_720 = arith.constant 0 : i32
        %dma_start3A_721 = tpu.memref_slice %arg3[%dma_start3A_719, %dma_start3A_720] : memref<1000000x32xf32, #tpu.memory_space<hbm>> -> memref<1000000x32xf32, #tpu.memory_space<hbm>>
        tpu.enqueue_indirect_dma source(%dma_start3A_721 : memref<1000000x32xf32, #tpu.memory_space<hbm>>) target(%dma_start3A_715 : memref<128x32xf32, #tpu.memory_space<vmem>>) offsets(%dma_start3A_718 : memref<128xi32, #tpu.memory_space<vmem>>) semaphore(%arg7 : memref<!tpu.dma_semaphore, #tpu.memory_space<semaphore_mem>>)
        %mul3A_722 = arith.constant 10 : i32
        %mul3A_723 = arith.muli %add3A_586, %mul3A_722 : i32
        %add3A_724 = arith.constant 9 : i32
        %add3A_725 = arith.addi %mul3A_723, %add3A_724 : i32
        %dma_start3A_726 = arith.constant 0 : i32
        %dma_start3A_727 = arith.constant 1152 : i32
        %dma_start3A_728 = arith.constant 0 : i32
        %dma_start3A_729 = tpu.memref_slice %arg6[%dma_start3A_726, %dma_start3A_727, %dma_start3A_728] : memref<2x1280x32xf32, #tpu.memory_space<vmem>> -> memref<1x128x32xf32, #tpu.memory_space<vmem>>
        %dma_start3A_730 = tpu.memref_squeeze %dma_start3A_729 : memref<1x128x32xf32, #tpu.memory_space<vmem>> -> memref<128x32xf32, #tpu.memory_space<vmem>>
        %dma_start3A_731 = arith.constant 0 : i32
        %dma_start3A_732 = tpu.memref_slice %arg5[%add3A_725, %dma_start3A_731] : memref<200x128xi32, #tpu.memory_space<vmem>> -> memref<1x128xi32, #tpu.memory_space<vmem>>
        %dma_start3A_733 = tpu.memref_squeeze %dma_start3A_732 : memref<1x128xi32, #tpu.memory_space<vmem>> -> memref<128xi32, #tpu.memory_space<vmem>>
        %dma_start3A_734 = arith.constant 0 : i32
        %dma_start3A_735 = arith.constant 0 : i32
        %dma_start3A_736 = tpu.memref_slice %arg3[%dma_start3A_734, %dma_start3A_735] : memref<1000000x32xf32, #tpu.memory_space<hbm>> -> memref<1000000x32xf32, #tpu.memory_space<hbm>>
        tpu.enqueue_indirect_dma source(%dma_start3A_736 : memref<1000000x32xf32, #tpu.memory_space<hbm>>) target(%dma_start3A_730 : memref<128x32xf32, #tpu.memory_space<vmem>>) offsets(%dma_start3A_733 : memref<128xi32, #tpu.memory_space<vmem>>) semaphore(%arg7 : memref<!tpu.dma_semaphore, #tpu.memory_space<semaphore_mem>>)
      } else {
      }
      %mul3A_569 = arith.constant 1280 : i32
      %mul3A_570 = arith.muli %add3A_143, %mul3A_569 : i32
      %add3A_571 = arith.addi %mul3A_2, %mul3A_570 : i32
      %dma_start3A_572 = arith.constant 1 : i32
      %dma_start3A_573 = arith.constant 0 : i32
      %dma_start3A_574 = arith.constant 0 : i32
      %dma_start3A_575 = tpu.memref_slice %arg6[%dma_start3A_572, %dma_start3A_573, %dma_start3A_574] : memref<2x1280x32xf32, #tpu.memory_space<vmem>> -> memref<1x1280x32xf32, #tpu.memory_space<vmem>>
      %dma_start3A_576 = tpu.memref_squeeze %dma_start3A_575 : memref<1x1280x32xf32, #tpu.memory_space<vmem>> -> memref<1280x32xf32, #tpu.memory_space<vmem>>
      %dma_start3A_577 = arith.constant 0 : i32
      %dma_start3A_578 = tpu.memref_slice %arg4[%add3A_571, %dma_start3A_577] : memref<819200x32xf32, #tpu.memory_space<hbm>> -> memref<1280x32xf32, #tpu.memory_space<hbm>>
      %dma_start3A_579 = arith.constant 0 : i32
      %dma_start3A_580 = tpu.memref_slice %arg4[%add3A_571, %dma_start3A_579] : memref<819200x32xf32, #tpu.memory_space<hbm>> -> memref<1280x32xf32, #tpu.memory_space<hbm>>
      %dma_start3A_581 = arith.constant 0 : i32
      %dma_start3A_582 = arith.constant 0 : i32
      %dma_start3A_583 = tpu.memref_slice %arg6[%dma_start3A_572, %dma_start3A_581, %dma_start3A_582] : memref<2x1280x32xf32, #tpu.memory_space<vmem>> -> memref<1x1280x32xf32, #tpu.memory_space<vmem>>
      %dma_start3A_584 = tpu.memref_squeeze %dma_start3A_583 : memref<1x1280x32xf32, #tpu.memory_space<vmem>> -> memref<1280x32xf32, #tpu.memory_space<vmem>>
      tpu.enqueue_dma source(%dma_start3A_584 : memref<1280x32xf32, #tpu.memory_space<vmem>>) target(%dma_start3A_580 : memref<1280x32xf32, #tpu.memory_space<hbm>>) target_semaphore(%arg10 : memref<!tpu.dma_semaphore, #tpu.memory_space<semaphore_mem>>)
    }
    %scan3A_126 = arith.constant 10 : i32
    %dma_wait3A = arith.constant 1 : i32
    %dma_wait3A_127 = arith.constant 0 : i32
    %dma_wait3A_128 = arith.constant 0 : i32
    %dma_wait3A_129 = tpu.memref_slice %arg6[%dma_wait3A, %dma_wait3A_127, %dma_wait3A_128] : memref<2x1280x32xf32, #tpu.memory_space<vmem>> -> memref<1x1280x32xf32, #tpu.memory_space<vmem>>
    %dma_wait3A_130 = tpu.memref_squeeze %dma_wait3A_129 : memref<1x1280x32xf32, #tpu.memory_space<vmem>> -> memref<1280x32xf32, #tpu.memory_space<vmem>>
    %dma_wait3A_131 = arith.constant 0 : i32
    %dma_wait3A_132 = tpu.memref_slice %arg4[%mul3A_2, %dma_wait3A_131] : memref<819200x32xf32, #tpu.memory_space<hbm>> -> memref<1280x32xf32, #tpu.memory_space<hbm>>
    %dma_wait3A_133 = arith.constant 0 : i32
    %dma_wait3A_134 = tpu.memref_slice %arg4[%mul3A_2, %dma_wait3A_133] : memref<819200x32xf32, #tpu.memory_space<hbm>> -> memref<1280x32xf32, #tpu.memory_space<hbm>>
    %dma_wait3A_135 = arith.constant 0 : i32
    %dma_wait3A_136 = arith.constant 0 : i32
    %dma_wait3A_137 = tpu.memref_slice %arg6[%dma_wait3A, %dma_wait3A_135, %dma_wait3A_136] : memref<2x1280x32xf32, #tpu.memory_space<vmem>> -> memref<1x1280x32xf32, #tpu.memory_space<vmem>>
    %dma_wait3A_138 = tpu.memref_squeeze %dma_wait3A_137 : memref<1x1280x32xf32, #tpu.memory_space<vmem>> -> memref<1280x32xf32, #tpu.memory_space<vmem>>
    tpu.wait_dma2 semaphore(%arg10 : memref<!tpu.dma_semaphore, #tpu.memory_space<semaphore_mem>>) src(%dma_wait3A_138 : memref<1280x32xf32, #tpu.memory_space<vmem>>) dst(%dma_wait3A_134 : memref<1280x32xf32, #tpu.memory_space<hbm>>)
    return
  }
}

</mosaic_0001>

<sc_bundles>
// kernel: kernel.3.cloned.1.call-start
scs
__scs_entry_jumppad:
0x0: {  	(pc) =	sbr.rel $0x88, $3  }
0x1: {  	(tag) =	ssettag $0x0;
	lr =	simm.s32 $0x1  }
0x2: {  	[smem:$0x3F9F] =	sst lr;
	_ =	strace $0xD0000000  }
0x3: {  	_ = 	snop  }
0x4: {  	_ = 	snop  }
0x5: {  	_ = 	snop  }
0x6: {  	_ = 	snop  }
0x7: {  	_ = 	snop  }
__scs_overlays_trampoline_lowered:
0x8: {  	[smem:$0x3FAE] =	sst s0  }
0x9: {  	[smem:$0x3FAF] =	sst s1  }
0xa: {  	[smem:$0x3FB0] =	sst s2  }
0xb: {  	[smem:$0x3FB1] =	sst s3  }
0xc: {  	[smem:$0x3FB2] =	sst s4  }
0xd: {  	[smem:$0x3FB3] =	sst s5  }
0xe: {  	[smem:$0x3FB4] =	sst s6  }
0xf: {  	[smem:$0x3FB5] =	sst s7  }
0x10: {  	[smem:$0x3FB6] =	sst s8  }
0x11: {  	[smem:$0x3FB7] =	sst s9;
	s0 =	simm.s32 @!p0 $0x0  }
0x12: {  	s1 =	sld [smem:$0x3F9D];
	s0 =	simm.s32 @p0 $0x1  }
0x13: {  	[smem:$0x3FB8] =	sst s0;
	s0 =	simm.s32 @!p1 $0x0  }
0x14: {  	s2 =	sld [smem:$0x3F9C];
	s0 =	simm.s32 @p1 $0x1  }
0x15: {  	[smem:$0x3FB9] =	sst s0;
	s0 =	simm.s32 @!p2 $0x0  }
0x16: {  	s3 =	sld [smem:$0x3FDB];
	s0 =	simm.s32 @p2 $0x1  }
0x17: {  	s4 =	simm.s32 $0x1BF5;
	[smem:$0x3FBB] =	sst s0  }
0x18: {  	s0 =	sld [smem:$0x3F9E];
	_ =	swait.ge [sflag:s4], $0x0  }
0x19: {  	s7 =	sld [smem:$0x3F9F]  }
0x1a: {  	s8 =	sadd.s32 $0xFFFFE003, lr  }
0x1b: {  	s9 =	sadd.s32 $0xFFFFFEF7, lr;
	s5 =	simm.s32 $0xFFFFFFFF;
	p2 =	slt.u32 s8, $0xFFFFF086  }
0x1c: {  	p1 =	slt.u32 s9, $0xF7A;
	s5 =	simm.s32 @!p2 $0x0  }
0x1d: {  	s5 =	simm.s32 @p1 $0x1;
	p0 =	seq.s32 s7, s2  }
0x1e: {  	s7 =	smul.u32 @!p0 $0xF7A, s2;
	p2 =	seq.s32 @!p0 s5, $0x0  }
0x1f: {  	s9 =	smul.u32 $0xF7A, s1;
	s8 =	simm.s32 @!p0 $0x1BF5;
	p2 =	por !p2, p0  }
0x20: {  	[sflag:s8] =	ssyncset.s32 @!p0 $0xFFFFF086;
	s6 =	sadd.s32 @!p0 s3, s7;
	s7 =	simm.s32 @!p0 $0x108  }
0x21: {  	s3 =	sadd.s32 s3, s9;
	s6 =	sadd.s32 @!p0 $0x88, s6;
	s7 =	simm.s32 @p2 $0x1082  }
0x22: {  	[simem:s7], [sflag:s8] =	dma.local @!p0 [hbm:s6], $0xF7A  }
0x23: {  	s9 =	sor.u32 $0xD0000000, s2;
	s6 =	simm.s32 $0x108;
	_ =	swait.ge @!p0 [sflag:s8], $0x0  }
0x24: {  	s3 =	sadd.s32 $0x88, s3;
	s6 =	simm.s32 @!p1 $0x1082;
	[sflag:s4] =	ssyncset.s32 $0xFFFFF086  }
0x25: {  	[simem:s6], [sflag:s4] =	dma.local [hbm:s3], $0xF7A  }
0x26: {  	[smem:$0x3F9F] =	sst s1;
	(tag) =	ssettag s2;
	_ =	strace s9  }
0x27: {  	s1 =	sld [smem:$0x3FAF]  }
0x28: {  	s2 =	sld [smem:$0x3FB0]  }
0x29: {  	s4 =	sld [smem:$0x3FB2]  }
0x2a: {  	p0 =	seq.s32 s5, $0x0;
	s5 =	sld [smem:$0x3FB3]  }
0x2b: {  	s6 =	sld [smem:$0x3FB4]  }
0x2c: {  	s7 =	sld [smem:$0x3FB5]  }
0x2d: {  	s3 =	simm.s32 $0x108;
	s8 =	sld [smem:$0x3FB6]  }
0x2e: {  	s3 =	simm.s32 @!p0 $0x1082;
	s9 =	sld [smem:$0x3FB7]  }
0x2f: {  	lr =	sadd.s32 s0, s3;
	s0 =	sld [smem:$0x3FAE]  }
0x30: {  	s3 =	sld [smem:$0x3FB1]  }
0x31: {  	[smem:$0x3FBA] =	sst s10  }
0x32: {  	s10 =	sld [smem:$0x3FB8];
	_ =	sdelay $0x3  }
0x33: {  	p0 =	seq.s32 s10, $0x1;
	s10 =	sld [smem:$0x3FBA];
	_ =	sdelay $0x3  }
0x34: {  	[smem:$0x3FBA] =	sst s10  }
0x35: {  	s10 =	sld [smem:$0x3FB9];
	_ =	sdelay $0x3  }
0x36: {  	p1 =	seq.s32 s10, $0x1;
	s10 =	sld [smem:$0x3FBA];
	_ =	sdelay $0x3  }
0x37: {  	[smem:$0x3FBA] =	sst s10  }
0x38: {  	s10 =	sld [smem:$0x3FBB]  }
0x39: {  	_ = 	snop;
	(pc) =	sbr.ind lr, $3  }
0x3a: {  	_ = 	snop  }
0x3b: {  	_ = 	snop  }
0x3c: {  	p2 =	seq.s32 s10, $0x1;
	s10 =	sld [smem:$0x3FBA]  }
0x3d: {  	_ =	shalt  }
0x3e: {  	_ =	shalt  }
0x3f: {  	_ =	shalt  }
0x40: {  	_ =	shalt  }
0x41: {  	_ =	shalt  }
0x42: {  	_ =	shalt  }
0x43: {  	_ =	shalt  }
0x44: {  	_ =	shalt  }
0x45: {  	_ =	shalt  }
0x46: {  	_ =	shalt  }
0x47: {  	_ =	shalt  }
0x48: {  	_ =	shalt  }
0x49: {  	_ =	shalt  }
0x4a: {  	_ =	shalt  }
0x4b: {  	_ =	shalt  }
0x4c: {  	_ =	shalt  }
0x4d: {  	_ =	shalt  }
0x4e: {  	_ =	shalt  }
0x4f: {  	_ =	shalt  }
0x50: {  	_ =	shalt  }
0x51: {  	_ =	shalt  }
0x52: {  	_ =	shalt  }
0x53: {  	_ =	shalt  }
0x54: {  	_ =	shalt  }
0x55: {  	_ =	shalt  }
0x56: {  	_ =	shalt  }
0x57: {  	_ =	shalt  }
0x58: {  	_ =	shalt  }
0x59: {  	_ =	shalt  }
0x5a: {  	_ =	shalt  }
0x5b: {  	_ =	shalt  }
0x5c: {  	_ =	shalt  }
0x5d: {  	_ =	shalt  }
0x5e: {  	_ =	shalt  }
0x5f: {  	_ =	shalt  }
0x60: {  	_ =	shalt  }
0x61: {  	_ =	shalt  }
0x62: {  	_ =	shalt  }
0x63: {  	_ =	shalt  }
0x64: {  	_ =	shalt  }
0x65: {  	_ =	shalt  }
0x66: {  	_ =	shalt  }
0x67: {  	_ =	shalt  }
0x68: {  	_ =	shalt  }
0x69: {  	_ =	shalt  }
0x6a: {  	_ =	shalt  }
0x6b: {  	_ =	shalt  }
0x6c: {  	_ =	shalt  }
0x6d: {  	_ =	shalt  }
0x6e: {  	_ =	shalt  }
0x6f: {  	_ =	shalt  }
0x70: {  	_ =	shalt  }
0x71: {  	_ =	shalt  }
0x72: {  	_ =	shalt  }
0x73: {  	_ =	shalt  }
0x74: {  	_ =	shalt  }
0x75: {  	_ =	shalt  }
0x76: {  	_ =	shalt  }
0x77: {  	_ =	shalt  }
0x78: {  	_ =	shalt  }
0x79: {  	_ =	shalt  }
0x7a: {  	_ =	shalt  }
0x7b: {  	_ =	shalt  }
0x7c: {  	_ =	shalt  }
0x7d: {  	_ =	shalt  }
0x7e: {  	_ =	shalt  }
0x7f: {  	_ =	shalt  }
0x80: {  	_ =	shalt  }
0x81: {  	_ =	shalt  }
0x82: {  	_ =	shalt  }
0x83: {  	_ =	shalt  }
0x84: {  	_ =	shalt  }
0x85: {  	_ =	shalt  }
0x86: {  	_ =	shalt  }
0x87: {  	_ =	shalt  }
.Lfunc_end0:
.L_simem_size_0:
called_computation.1_lowered:
.L_overlay_start_0:
0x88: {  	s2 =	sld [smem:$0x3FD9]  }
0x89: {  	s3 =	sld [smem:$0x3FFE];
	_ =	sdelay $0x1  }
0x8a: {  	s1 =	srdreg.scid  }
0x8b: {  	s0 =	sand.u32 $0x1, s1  }
0x8c: {  	s17 =	sshll.u32 s0, $0xA;
	s2 =	sadd.s32 s3, s2  }
0x8d: {  	s2 =	sadd.s32 s2, s17  }
0x8e: {  	[smem:$0x3FC6] =	sst s2  }
0x8f: {  	_ = 	snop  }
0x90: {  	s2 =	sld [smem:$0x3FD0];
	(tm) =	ssettm $0x1  }
0x91: {  	s18 =	sld [smem:$0x3FFB];
	_ =	sdelay $0x3  }
0x92: {  	_ =	strace s18  }
0x93: {  	s3 =	sld [smem:$0x3FFC];
	_ =	sdelay $0x3  }
0x94: {  	_ =	strace s3  }
0x95: {  	s3 =	sld [smem:$0x3FFD];
	_ =	sdelay $0x3  }
0x96: {  	_ =	strace s3  }
0x97: {  	_ =	strace $0x8FFFFFFF  }
0x98: {  	s19 =	sld [smem:$0x3FDB];
	_ =	sdelay $0x1  }
0x99: {  	s4 =	simm.s32 $_scs_section_size  }
0x9a: {  	s5 =	simm.s32 $_size__tile_overlayer_lowered;
	s6 =	simm.s32 $_tile_overlayer_lowered  }
0x9b: {  	s22 =	simm.s32 $0x1BFF;
	s21 =	sshll.u32 s6, $0x1;
	s3 =	sadd.s32 s4, s19  }
0x9c: {  	s7 =	simm.s32 $0x0;
	s20 =	sshll.u32 s5, $0x1;
	s5 =	sadd.s32 s21, s3  }
0x9d: {  	[timem:s7], [sflag:s22] =	dma.local [hbm:s5], s20  }
0x9e: {  	_ =	swait.ge [sflag:s22], s20  }
0x9f: {  	s4 =	ssub.s32 $0x0, s20;
	[sflag:s22] =	ssyncset.done $0x0  }
0xa0: {  	[sflag:s22] =	ssyncadd.s32 s4;
	_ =	sdelay $0x1  }
0xa1: {  	s23 =	simm.s32 $0x1B8B  }
0xa2: {  	_ =	swait.ge [sflag:s23], $0x1  }
0xa3: {  	[sflag:s23] =	ssyncset.done $0x0  }
0xa4: {  	s25 =	simm.s32 $0x1B8E;
	s24 =	sld [smem:$0x3FFE];
	[sflag:s23] =	ssyncadd.s32 $0xFFFFFFFF  }
0xa5: {  	s26 =	simm.s32 $execute0_lowered;
	[smem:$0x3FD2] =	sst s25  }
0xa6: {  	s5 =	sshll.u32 s26, $0x1;
	_ =	strace $0x80000046;
	[dreg:$0x1] =	wrdreg $0xFFFFFFFF  }
0xa7: {  	s28 =	simm.s32 $_size_execute0_lowered;
	s3 =	sadd.s32 s3, s5;
	[dreg:$0x0] =	wrdreg $0x0  }
0xa8: {  	s5 =	sshll.u32 s28, $0x1;
	[dreg:$0x2] =	wrdreg s3  }
0xa9: {  	[dreg:$0x3] =	wrdreg s5  }
0xaa: {  	[dreg:$0x4] =	wrdreg $0xC0  }
0xab: {  	_ =	task [dreg:s7], $0x5FFFF  }
0xac: {  	[dreg:$0x1] =	wrdreg $0xFFFFFFFF  }
0xad: {  	[dreg:$0x0] =	wrdreg $0x60  }
0xae: {  	[dreg:$0x2] =	wrdreg s24  }
0xaf: {  	[dreg:$0x3] =	wrdreg s2  }
0xb0: {  	[dreg:$0x4] =	wrdreg $0x9  }
0xb1: {  	_ =	task.clear_ibuf [dreg:s7], $0x5FFFF;
	_ =	strace $0x90000046  }
0xb2: {  	s29 =	simm.s32 $0x9;
	_ =	strace $0x80000048  }
0xb3: {  	_ =	swait.ge [sflag:s29], $0x1  }
0xb4: {  	[sflag:s29] =	ssyncadd.s32 $0xFFFFFFFF  }
0xb5: {  	_ =	strace $0x90000048  }
0xb6: {  	_ =	sfence  }
0xb7: {  	s30 =	sld [smem:$0x0];
	_ =	sdelay $0x2  }
0xb8: {  	s31 =	sshll.u32 s1, $0xD;
	s1 =	sshrl.u32 s1, $0x2  }
0xb9: {  	s3 =	sand.u32 $0x4000, s31;
	s1 =	sadd.s32 s1, s30  }
0xba: {  	s0 =	sor.u32 s3, s0;
	s1 =	sshll.u32 s1, $0x11  }
0xbb: {  	s0 =	sor.u32 s1, s0  }
0xbc: {  	s0 =	sadd.s32 $0x8F2B, s0  }
0xbd: {  	[sflag:s0] =	ssyncadd.remote.s32 $0x1  }
0xbe: {  	_ =	sfence.sel $0xFFFF  }
0xbf: {  	[dreg:$0x0] =	wrdreg $0xFFFFFFFF;
	(pc) =	sbr.abs _section_cstart, $3  }
0xc0: {  	[dreg:$0x1] =	wrdreg $0xFFFFFFFF  }
0xc1: {  	_ =	task.clear_ibuf [dreg:s7], $0x2FFFF;
	_ =	strace $0x9FFFFFFF  }
0xc2: {  	(tm) =	ssettm $0x7FFFFFFF  }
0xc3: {  	_ =	shalt  }
tec
execute0_lowered:
.L_overlay_start_1:
0x0: {  	(tag) =	ssettag $0x1  }
0x1: {  	s0 =	srdreg.scid;
	s3 =	rddreg [dreg:$0x0]  }
0x2: {  	s8 =	stileid.u32;
	s5 =	rddreg [dreg:$0x1]  }
0x3: {  	s2 =	simm.s32 $0x0;
	s18 =	simm.s32 $0x11400;
	s19 =	simm.s32 $0x12400  }
0x4: {  	s20 =	simm.s32 $0x13400;
	s21 =	simm.s32 $0x14400;
	s22 =	simm.s32 $0x15400  }
0x5: {  	s23 =	simm.s32 $0x16400;
	s24 =	simm.s32 $0x17400;
	s25 =	simm.s32 $0x18400  }
0x6: {  	s26 =	simm.s32 $0x19400;
	s28 =	simm.s32 $0x10400;
	[smem:$0x7FF] =	sst s2  }
0x7: {  	s29 =	simm.s32 $0x2;
	_ =	strace $0x80000047;
	[dreg:$0x5] =	wrdreg s18  }
0x8: {  	s30 =	simm.s32 $0x3;
	s31 =	simm.s32 $0x4;
	[dreg:$0x6] =	wrdreg s19  }
0x9: {  	s0 =	sand.u32 $0x1, s0;
	s4 =	smul.u32 $0xC800, s8;
	[dreg:$0x7] =	wrdreg s20  }
0xa: {  	s1 =	sshll.u32 s8, $0x1;
	s8 =	smul.u32 $0x32000, s8;
	[dreg:$0x8] =	wrdreg s21  }
0xb: {  	s1 =	sor.u32 s0, s1;
	s6 =	smul.u32 $0x6400, s0;
	[dreg:$0x9] =	wrdreg s22  }
0xc: {  	s7 =	ssub.s32 $0x2, s0;
	s0 =	smul.u32 $0x19000, s0;
	[dreg:$0xa] =	wrdreg s23  }
0xd: {  	s20 =	simm.s32 $0x380;
	s21 =	simm.s32 $0xD400;
	[dreg:$0xb] =	wrdreg s24  }
0xe: {  	s22 =	simm.s32 $0x400;
	s23 =	simm.s32 $0xE400;
	[dreg:$0xc] =	wrdreg s25  }
0xf: {  	s24 =	simm.s32 $0x480;
	[dreg:$0xd] =	wrdreg s26;
	s25 =	simm.s32 $0xF400  }
0x10: {  	s26 =	simm.s32 $0x1;
	s1 =	smul.u32 $0x6400, s1;
	s9 =	sshrl.u32 s7, $0x1  }
0x11: {  	s14 =	sadd.s32 s8, s5;
	s8 =	simm.s32 $0x6400;
	s4 =	sadd.s32 s6, s4  }
0x12: {  	s13 =	ssub.s32 s7, s9;
	s0 =	sadd.s32 s0, s14;
	s6 =	simm.s32 $0x5  }
0x13: {  	s7 =	simm.s32 $0x80;
	s1 =	sshrl.u32 s1, $0x3;
	s15 =	sshll.u32 s4, $0x2  }
0x14: {  	[dreg:$0x3] =	wrdreg s0;
	s1 =	sadd.s32 s1, s3;
	s16 =	sadd.s32 s5, s15  }
0x15: {  	s3 =	sadd.s32 $0xF42E00, s3;
	s5 =	smax.u32 s13, $0x1;
	s17 =	sadd.s32 $0x1400, s16  }
0x16: {  	s4 =	sadd.s32 $0xA00, s1;
	s1 =	simm.s32 $0x0;
	[dreg:$0x4] =	wrdreg s17  }
.LBB2_1:
0x17: {  	[tilespmem:s2], [sflag:$0x5] =	stream.linear.gather [hbm4b:s4+s2], $0x6400, $0x38;
	[tilespmem:$0x1A400] =	vst v63  }
0x18: {  	_ =	swait.ge [sflag:s6], $0x6400  }
0x19: {  	[sflag:s6] =	ssyncset.done $0x0  }
0x1a: {  	[sflag:s6] =	ssyncadd.s32 $0xFFFF9C00  }
0x1b: {  	[tilespmem:s8], [sflag:$0x1] =	stream.indirect.gather [hbm4b:s3+s7], $0x20, s2, s7, $0xb8;
	[tilespmem:$0x1A400] =	vst v63  }
0x1c: {  	s0 =	simm.s32 $0x7400  }
0x1d: {  	[tilespmem:s0], [sflag:$0x1] =	stream.indirect.gather [hbm4b:s3+s7], $0x20, s7, s7, $0xb8;
	[tilespmem:$0x1A400] =	vst v63  }
0x1e: {  	s19 =	simm.s32 $0x100;
	s9 =	simm.s32 $0x8400  }
0x1f: {  	[tilespmem:s9], [sflag:$0x1] =	stream.indirect.gather [hbm4b:s3+s7], $0x20, s19, s7, $0xb8;
	[tilespmem:$0x1A400] =	vst v63  }
0x20: {  	s10 =	simm.s32 $0x180;
	s11 =	simm.s32 $0x9400  }
0x21: {  	[tilespmem:s11], [sflag:$0x1] =	stream.indirect.gather [hbm4b:s3+s7], $0x20, s10, s7, $0xb8;
	[tilespmem:$0x1A400] =	vst v63  }
0x22: {  	s12 =	simm.s32 $0x200;
	s13 =	simm.s32 $0xA400  }
0x23: {  	[tilespmem:s13], [sflag:$0x1] =	stream.indirect.gather [hbm4b:s3+s7], $0x20, s12, s7, $0xb8;
	[tilespmem:$0x1A400] =	vst v63  }
0x24: {  	s14 =	simm.s32 $0x280;
	s15 =	simm.s32 $0xB400  }
0x25: {  	[tilespmem:s15], [sflag:$0x1] =	stream.indirect.gather [hbm4b:s3+s7], $0x20, s14, s7, $0xb8;
	[tilespmem:$0x1A400] =	vst v63  }
0x26: {  	s16 =	simm.s32 $0x300;
	s17 =	simm.s32 $0xC400  }
0x27: {  	[tilespmem:s17], [sflag:$0x1] =	stream.indirect.gather [hbm4b:s3+s7], $0x20, s16, s7, $0xb8;
	[tilespmem:$0x1A400] =	vst v63  }
0x28: {  	_ = 	snop  }
0x29: {  	[tilespmem:s21], [sflag:$0x1] =	stream.indirect.gather [hbm4b:s3+s7], $0x20, s20, s7, $0xb8;
	[tilespmem:$0x1A400] =	vst v63  }
0x2a: {  	_ = 	snop  }
0x2b: {  	[tilespmem:s23], [sflag:$0x1] =	stream.indirect.gather [hbm4b:s3+s7], $0x20, s22, s7, $0xb8;
	[tilespmem:$0x1A400] =	vst v63  }
0x2c: {  	_ = 	snop  }
0x2d: {  	[tilespmem:s25], [sflag:$0x1] =	stream.indirect.gather [hbm4b:s3+s7], $0x20, s24, s7, $0xb8;
	[tilespmem:$0x1A400] =	vst v63  }
0x2e: {  	_ =	swait.ge [sflag:s26], $0x1000  }
0x2f: {  	[sflag:s26] =	ssyncset.done $0x0  }
0x30: {  	[sflag:s26] =	ssyncadd.s32 $0xFFFFF000  }
0x31: {  	_ =	swait.ge [sflag:s26], $0x1000  }
0x32: {  	[sflag:s26] =	ssyncset.done $0x0  }
0x33: {  	[sflag:s26] =	ssyncadd.s32 $0xFFFFF000  }
0x34: {  	_ =	swait.ge [sflag:s26], $0x1000  }
0x35: {  	[sflag:s26] =	ssyncset.done $0x0  }
0x36: {  	[sflag:s26] =	ssyncadd.s32 $0xFFFFF000  }
0x37: {  	_ =	swait.ge [sflag:s26], $0x1000  }
0x38: {  	[sflag:s26] =	ssyncset.done $0x0  }
0x39: {  	[sflag:s26] =	ssyncadd.s32 $0xFFFFF000  }
0x3a: {  	_ =	swait.ge [sflag:s26], $0x1000  }
0x3b: {  	[sflag:s26] =	ssyncset.done $0x0  }
0x3c: {  	[sflag:s26] =	ssyncadd.s32 $0xFFFFF000  }
0x3d: {  	_ =	swait.ge [sflag:s26], $0x1000  }
0x3e: {  	[sflag:s26] =	ssyncset.done $0x0  }
0x3f: {  	[sflag:s26] =	ssyncadd.s32 $0xFFFFF000  }
0x40: {  	_ =	swait.ge [sflag:s26], $0x1000  }
0x41: {  	[sflag:s26] =	ssyncset.done $0x0  }
0x42: {  	[sflag:s26] =	ssyncadd.s32 $0xFFFFF000  }
0x43: {  	_ =	swait.ge [sflag:s26], $0x1000  }
0x44: {  	[sflag:s26] =	ssyncset.done $0x0  }
0x45: {  	[sflag:s26] =	ssyncadd.s32 $0xFFFFF000  }
0x46: {  	_ =	swait.ge [sflag:s26], $0x1000  }
0x47: {  	[sflag:s26] =	ssyncset.done $0x0  }
0x48: {  	[sflag:s26] =	ssyncadd.s32 $0xFFFFF000  }
0x49: {  	_ =	swait.ge [sflag:s26], $0x1000  }
0x4a: {  	p0 =	por $0x1, $0x1;
	[sflag:s26] =	ssyncset.done $0x0  }
0x4b: {  	s0 =	simm.s32 @!p0 $0x4;
	[sflag:s26] =	ssyncadd.s32 $0xFFFFF000  }
0x4c: {  	_ =	swait.ge @!p0 [sflag:s0], $0xA000  }
0x4d: {  	[sflag:s0] =	ssyncset.done @!p0 $0x0  }
0x4e: {  	s18 =	simm.s32 $0x500;
	s9 =	rddreg [dreg:$0x3];
	[sflag:s0] =	ssyncadd.s32 @!p0 $0xFFFF6000  }
0x4f: {  	[tilespmem:s28], [sflag:$0x2] =	stream.indirect.gather [hbm4b:s3+s7], $0x20, s18, s7, $0xb8;
	[tilespmem:$0x1A400] =	vst v63  }
0x50: {  	s19 =	simm.s32 $0x580;
	s10 =	rddreg [dreg:$0x5]  }
0x51: {  	[tilespmem:s10], [sflag:$0x2] =	stream.indirect.gather [hbm4b:s3+s7], $0x20, s19, s7, $0xb8;
	[tilespmem:$0x1A400] =	vst v63  }
0x52: {  	s12 =	simm.s32 $0x600;
	s11 =	rddreg [dreg:$0x6]  }
0x53: {  	[tilespmem:s11], [sflag:$0x2] =	stream.indirect.gather [hbm4b:s3+s7], $0x20, s12, s7, $0xb8;
	[tilespmem:$0x1A400] =	vst v63  }
0x54: {  	s14 =	simm.s32 $0x680;
	s13 =	rddreg [dreg:$0x7]  }
0x55: {  	[tilespmem:s13], [sflag:$0x2] =	stream.indirect.gather [hbm4b:s3+s7], $0x20, s14, s7, $0xb8;
	[tilespmem:$0x1A400] =	vst v63  }
0x56: {  	s16 =	simm.s32 $0x700;
	s15 =	rddreg [dreg:$0x8]  }
0x57: {  	[tilespmem:s15], [sflag:$0x2] =	stream.indirect.gather [hbm4b:s3+s7], $0x20, s16, s7, $0xb8;
	[tilespmem:$0x1A400] =	vst v63  }
0x58: {  	s17 =	rddreg [dreg:$0x9];
	s18 =	simm.s32 $0x780  }
0x59: {  	[tilespmem:s17], [sflag:$0x2] =	stream.indirect.gather [hbm4b:s3+s7], $0x20, s18, s7, $0xb8;
	[tilespmem:$0x1A400] =	vst v63  }
0x5a: {  	s19 =	rddreg [dreg:$0xa];
	s10 =	simm.s32 $0x800  }
0x5b: {  	[tilespmem:s19], [sflag:$0x2] =	stream.indirect.gather [hbm4b:s3+s7], $0x20, s10, s7, $0xb8;
	[tilespmem:$0x1A400] =	vst v63  }
0x5c: {  	s12 =	rddreg [dreg:$0xb];
	s13 =	simm.s32 $0x880  }
0x5d: {  	[tilespmem:s12], [sflag:$0x2] =	stream.indirect.gather [hbm4b:s3+s7], $0x20, s13, s7, $0xb8;
	[tilespmem:$0x1A400] =	vst v63  }
0x5e: {  	s14 =	rddreg [dreg:$0xc];
	s15 =	simm.s32 $0x900  }
0x5f: {  	[tilespmem:s14], [sflag:$0x2] =	stream.indirect.gather [hbm4b:s3+s7], $0x20, s15, s7, $0xb8;
	[tilespmem:$0x1A400] =	vst v63  }
0x60: {  	s16 =	rddreg [dreg:$0xd];
	s17 =	simm.s32 $0x980  }
0x61: {  	[tilespmem:s16], [sflag:$0x2] =	stream.indirect.gather [hbm4b:s3+s7], $0x20, s17, s7, $0xb8;
	[tilespmem:$0x1A400] =	vst v63  }
0x62: {  	s18 =	sadd.s32 $0x0, s9  }
0x63: {  	[hbm4b:s18+s2] =	stream.linear.scatter [tilespmem:s8], [sflag:$0x3], $0xA000, $0x38;
	[tilespmem:$0x1A400] =	vst v63  }
0x64: {  	_ =	swait.ge [sflag:s29], $0x1000  }
0x65: {  	[sflag:s29] =	ssyncset.done $0x0  }
0x66: {  	[sflag:s29] =	ssyncadd.s32 $0xFFFFF000  }
0x67: {  	_ =	swait.ge [sflag:s29], $0x1000  }
0x68: {  	[sflag:s29] =	ssyncset.done $0x0  }
0x69: {  	[sflag:s29] =	ssyncadd.s32 $0xFFFFF000  }
0x6a: {  	_ =	swait.ge [sflag:s29], $0x1000  }
0x6b: {  	[sflag:s29] =	ssyncset.done $0x0  }
0x6c: {  	[sflag:s29] =	ssyncadd.s32 $0xFFFFF000  }
0x6d: {  	_ =	swait.ge [sflag:s29], $0x1000  }
0x6e: {  	[sflag:s29] =	ssyncset.done $0x0  }
0x6f: {  	[sflag:s29] =	ssyncadd.s32 $0xFFFFF000  }
0x70: {  	_ =	swait.ge [sflag:s29], $0x1000  }
0x71: {  	[sflag:s29] =	ssyncset.done $0x0  }
0x72: {  	[sflag:s29] =	ssyncadd.s32 $0xFFFFF000  }
0x73: {  	_ =	swait.ge [sflag:s29], $0x1000  }
0x74: {  	[sflag:s29] =	ssyncset.done $0x0  }
0x75: {  	[sflag:s29] =	ssyncadd.s32 $0xFFFFF000  }
0x76: {  	_ =	swait.ge [sflag:s29], $0x1000  }
0x77: {  	[sflag:s29] =	ssyncset.done $0x0  }
0x78: {  	[sflag:s29] =	ssyncadd.s32 $0xFFFFF000  }
0x79: {  	_ =	swait.ge [sflag:s29], $0x1000  }
0x7a: {  	[sflag:s29] =	ssyncset.done $0x0  }
0x7b: {  	[sflag:s29] =	ssyncadd.s32 $0xFFFFF000  }
0x7c: {  	_ =	swait.ge [sflag:s29], $0x1000  }
0x7d: {  	[sflag:s29] =	ssyncset.done $0x0  }
0x7e: {  	[sflag:s29] =	ssyncadd.s32 $0xFFFFF000  }
0x7f: {  	_ =	swait.ge [sflag:s29], $0x1000  }
0x80: {  	[sflag:s29] =	ssyncset.done $0x0  }
0x81: {  	[sflag:s29] =	ssyncadd.s32 $0xFFFFF000  }
0x82: {  	p0 =	por $0x0, $0x0;
	_ =	swait.ge [sflag:s30], $0xA000  }
0x83: {  	s0 =	simm.s32 @!p0 $0x80;
	[sflag:s30] =	ssyncset.done $0x0  }
0x84: {  	s9 =	simm.s32 @!p0 $0x6400;
	s10 =	simm.s32 @!p0 $0xA00;
	[sflag:s30] =	ssyncadd.s32 $0xFFFF6000  }
0x85: {  	[tilespmem:s9], [sflag:$0x1] =	stream.indirect.gather @!p0 [hbm4b:s3+s0], $0x20, s10, s0, $0xb8;
	[tilespmem:$0x1A400] =	vst v63  }
0x86: {  	s9 =	simm.s32 @!p0 $0xA80;
	s10 =	simm.s32 @!p0 $0x7400  }
0x87: {  	[tilespmem:s10], [sflag:$0x1] =	stream.indirect.gather @!p0 [hbm4b:s3+s0], $0x20, s9, s0, $0xb8;
	[tilespmem:$0x1A400] =	vst v63  }
0x88: {  	s9 =	simm.s32 @!p0 $0xB00;
	s10 =	simm.s32 @!p0 $0x8400  }
0x89: {  	[tilespmem:s10], [sflag:$0x1] =	stream.indirect.gather @!p0 [hbm4b:s3+s0], $0x20, s9, s0, $0xb8;
	[tilespmem:$0x1A400] =	vst v63  }
0x8a: {  	s9 =	simm.s32 @!p0 $0xB80;
	s10 =	simm.s32 @!p0 $0x9400  }
0x8b: {  	[tilespmem:s10], [sflag:$0x1] =	stream.indirect.gather @!p0 [hbm4b:s3+s0], $0x20, s9, s0, $0xb8;
	[tilespmem:$0x1A400] =	vst v63  }
0x8c: {  	s9 =	simm.s32 @!p0 $0xC00;
	s10 =	simm.s32 @!p0 $0xA400  }
0x8d: {  	[tilespmem:s10], [sflag:$0x1] =	stream.indirect.gather @!p0 [hbm4b:s3+s0], $0x20, s9, s0, $0xb8;
	[tilespmem:$0x1A400] =	vst v63  }
0x8e: {  	s9 =	simm.s32 @!p0 $0xC80;
	s10 =	simm.s32 @!p0 $0xB400  }
0x8f: {  	[tilespmem:s10], [sflag:$0x1] =	stream.indirect.gather @!p0 [hbm4b:s3+s0], $0x20, s9, s0, $0xb8;
	[tilespmem:$0x1A400] =	vst v63  }
0x90: {  	s9 =	simm.s32 @!p0 $0xD00;
	s10 =	simm.s32 @!p0 $0xC400  }
0x91: {  	[tilespmem:s10], [sflag:$0x1] =	stream.indirect.gather @!p0 [hbm4b:s3+s0], $0x20, s9, s0, $0xb8;
	[tilespmem:$0x1A400] =	vst v63  }
0x92: {  	s9 =	simm.s32 @!p0 $0xD80;
	s10 =	simm.s32 @!p0 $0xD400  }
0x93: {  	[tilespmem:s10], [sflag:$0x1] =	stream.indirect.gather @!p0 [hbm4b:s3+s0], $0x20, s9, s0, $0xb8;
	[tilespmem:$0x1A400] =	vst v63  }
0x94: {  	s9 =	simm.s32 @!p0 $0xE00;
	s10 =	simm.s32 @!p0 $0xE400  }
0x95: {  	[tilespmem:s10], [sflag:$0x1] =	stream.indirect.gather @!p0 [hbm4b:s3+s0], $0x20, s9, s0, $0xb8;
	[tilespmem:$0x1A400] =	vst v63  }
0x96: {  	s11 =	simm.s32 @!p0 $0xF400;
	s19 =	rddreg [dreg:$0x4];
	s10 =	simm.s32 @!p0 $0xE80  }
0x97: {  	[tilespmem:s11], [sflag:$0x1] =	stream.indirect.gather @!p0 [hbm4b:s3+s0], $0x20, s10, s0, $0xb8;
	[tilespmem:$0x1A400] =	vst v63  }
0x98: {  	s0 =	simm.s32 $0x2800;
	s10 =	sadd.s32 $0x0, s19  }
.LBB2_2:
0x99: {  	[hbm4b:s10+s2] =	stream.linear.scatter [tilespmem:s28], [sflag:$0x4], $0xA000, $0x38;
	[tilespmem:$0x1A400] =	vst v63  }
0x9a: {  	_ =	swait.ge [sflag:s26], $0x1000  }
0x9b: {  	[sflag:s26] =	ssyncset.done $0x0  }
0x9c: {  	[sflag:s26] =	ssyncadd.s32 $0xFFFFF000  }
0x9d: {  	_ =	swait.ge [sflag:s26], $0x1000  }
0x9e: {  	[sflag:s26] =	ssyncset.done $0x0  }
0x9f: {  	[sflag:s26] =	ssyncadd.s32 $0xFFFFF000  }
0xa0: {  	_ =	swait.ge [sflag:s26], $0x1000  }
0xa1: {  	[sflag:s26] =	ssyncset.done $0x0  }
0xa2: {  	[sflag:s26] =	ssyncadd.s32 $0xFFFFF000  }
0xa3: {  	_ =	swait.ge [sflag:s26], $0x1000  }
0xa4: {  	[sflag:s26] =	ssyncset.done $0x0  }
0xa5: {  	[sflag:s26] =	ssyncadd.s32 $0xFFFFF000  }
0xa6: {  	_ =	swait.ge [sflag:s26], $0x1000  }
0xa7: {  	[sflag:s26] =	ssyncset.done $0x0  }
0xa8: {  	[sflag:s26] =	ssyncadd.s32 $0xFFFFF000  }
0xa9: {  	_ =	swait.ge [sflag:s26], $0x1000  }
0xaa: {  	[sflag:s26] =	ssyncset.done $0x0  }
0xab: {  	[sflag:s26] =	ssyncadd.s32 $0xFFFFF000  }
0xac: {  	_ =	swait.ge [sflag:s26], $0x1000  }
0xad: {  	[sflag:s26] =	ssyncset.done $0x0  }
0xae: {  	[sflag:s26] =	ssyncadd.s32 $0xFFFFF000  }
0xaf: {  	_ =	swait.ge [sflag:s26], $0x1000  }
0xb0: {  	[sflag:s26] =	ssyncset.done $0x0  }
0xb1: {  	[sflag:s26] =	ssyncadd.s32 $0xFFFFF000  }
0xb2: {  	_ =	swait.ge [sflag:s26], $0x1000  }
0xb3: {  	[sflag:s26] =	ssyncset.done $0x0  }
0xb4: {  	[sflag:s26] =	ssyncadd.s32 $0xFFFFF000  }
0xb5: {  	s9 =	smov.u32 s0;
	_ =	swait.ge [sflag:s26], $0x1000  }
0xb6: {  	p1 =	seq.s32 s9, $0x0;
	[sflag:s26] =	ssyncset.done $0x0  }
0xb7: {  	s10 =	simm.s32 @!p1 $0x4;
	[sflag:s26] =	ssyncadd.s32 $0xFFFFF000  }
0xb8: {  	_ =	swait.ge @!p1 [sflag:s10], $0xA000  }
0xb9: {  	s11 =	sshra.s32 s9, $0x2;
	[sflag:s10] =	ssyncset.done @!p1 $0x0  }
0xba: {  	s14 =	sadd.s32 $0x500, s11;
	s12 =	rddreg [dreg:$0x3];
	[sflag:s10] =	ssyncadd.s32 @!p1 $0xFFFF6000  }
0xbb: {  	[tilespmem:s28], [sflag:$0x2] =	stream.indirect.gather [hbm4b:s3+s7], $0x20, s14, s7, $0xb8;
	[tilespmem:$0x1A400] =	vst v63  }
0xbc: {  	s15 =	sadd.s32 $0x580, s11;
	s13 =	rddreg [dreg:$0x5]  }
0xbd: {  	[tilespmem:s13], [sflag:$0x2] =	stream.indirect.gather [hbm4b:s3+s7], $0x20, s15, s7, $0xb8;
	[tilespmem:$0x1A400] =	vst v63  }
0xbe: {  	s16 =	sadd.s32 $0x600, s11;
	s14 =	rddreg [dreg:$0x6]  }
0xbf: {  	[tilespmem:s14], [sflag:$0x2] =	stream.indirect.gather [hbm4b:s3+s7], $0x20, s16, s7, $0xb8;
	[tilespmem:$0x1A400] =	vst v63  }
0xc0: {  	s18 =	sadd.s32 $0x680, s11;
	s17 =	rddreg [dreg:$0x7]  }
0xc1: {  	[tilespmem:s17], [sflag:$0x2] =	stream.indirect.gather [hbm4b:s3+s7], $0x20, s18, s7, $0xb8;
	[tilespmem:$0x1A400] =	vst v63  }
0xc2: {  	s19 =	rddreg [dreg:$0x8];
	s13 =	sadd.s32 $0x700, s11  }
0xc3: {  	[tilespmem:s19], [sflag:$0x2] =	stream.indirect.gather [hbm4b:s3+s7], $0x20, s13, s7, $0xb8;
	[tilespmem:$0x1A400] =	vst v63  }
0xc4: {  	s15 =	rddreg [dreg:$0x9];
	s16 =	sadd.s32 $0x780, s11  }
0xc5: {  	[tilespmem:s15], [sflag:$0x2] =	stream.indirect.gather [hbm4b:s3+s7], $0x20, s16, s7, $0xb8;
	[tilespmem:$0x1A400] =	vst v63  }
0xc6: {  	s17 =	rddreg [dreg:$0xa];
	s18 =	sadd.s32 $0x800, s11  }
0xc7: {  	[tilespmem:s17], [sflag:$0x2] =	stream.indirect.gather [hbm4b:s3+s7], $0x20, s18, s7, $0xb8;
	[tilespmem:$0x1A400] =	vst v63  }
0xc8: {  	s14 =	sadd.s32 $0x880, s11;
	s19 =	rddreg [dreg:$0xb]  }
0xc9: {  	[tilespmem:s19], [sflag:$0x2] =	stream.indirect.gather [hbm4b:s3+s7], $0x20, s14, s7, $0xb8;
	[tilespmem:$0x1A400] =	vst v63  }
0xca: {  	s15 =	rddreg [dreg:$0xc];
	s16 =	sadd.s32 $0x900, s11  }
0xcb: {  	[tilespmem:s15], [sflag:$0x2] =	stream.indirect.gather [hbm4b:s3+s7], $0x20, s16, s7, $0xb8;
	[tilespmem:$0x1A400] =	vst v63  }
0xcc: {  	s17 =	rddreg [dreg:$0xd];
	s18 =	sadd.s32 $0x980, s11  }
0xcd: {  	[tilespmem:s17], [sflag:$0x2] =	stream.indirect.gather [hbm4b:s3+s7], $0x20, s18, s7, $0xb8;
	[tilespmem:$0x1A400] =	vst v63  }
0xce: {  	s19 =	sadd.s32 s9, s12  }
0xcf: {  	[hbm4b:s19+s2] =	stream.linear.scatter [tilespmem:s8], [sflag:$0x3], $0xA000, $0x38;
	[tilespmem:$0x1A400] =	vst v63  }
0xd0: {  	_ =	swait.ge [sflag:s29], $0x1000  }
0xd1: {  	[sflag:s29] =	ssyncset.done $0x0  }
0xd2: {  	[sflag:s29] =	ssyncadd.s32 $0xFFFFF000  }
0xd3: {  	_ =	swait.ge [sflag:s29], $0x1000  }
0xd4: {  	[sflag:s29] =	ssyncset.done $0x0  }
0xd5: {  	[sflag:s29] =	ssyncadd.s32 $0xFFFFF000  }
0xd6: {  	_ =	swait.ge [sflag:s29], $0x1000  }
0xd7: {  	[sflag:s29] =	ssyncset.done $0x0  }
0xd8: {  	[sflag:s29] =	ssyncadd.s32 $0xFFFFF000  }
0xd9: {  	_ =	swait.ge [sflag:s29], $0x1000  }
0xda: {  	[sflag:s29] =	ssyncset.done $0x0  }
0xdb: {  	[sflag:s29] =	ssyncadd.s32 $0xFFFFF000  }
0xdc: {  	_ =	swait.ge [sflag:s29], $0x1000  }
0xdd: {  	[sflag:s29] =	ssyncset.done $0x0  }
0xde: {  	[sflag:s29] =	ssyncadd.s32 $0xFFFFF000  }
0xdf: {  	_ =	swait.ge [sflag:s29], $0x1000  }
0xe0: {  	[sflag:s29] =	ssyncset.done $0x0  }
0xe1: {  	[sflag:s29] =	ssyncadd.s32 $0xFFFFF000  }
0xe2: {  	_ =	swait.ge [sflag:s29], $0x1000  }
0xe3: {  	[sflag:s29] =	ssyncset.done $0x0  }
0xe4: {  	[sflag:s29] =	ssyncadd.s32 $0xFFFFF000  }
0xe5: {  	_ =	swait.ge [sflag:s29], $0x1000  }
0xe6: {  	[sflag:s29] =	ssyncset.done $0x0  }
0xe7: {  	[sflag:s29] =	ssyncadd.s32 $0xFFFFF000  }
0xe8: {  	_ =	swait.ge [sflag:s29], $0x1000  }
0xe9: {  	[sflag:s29] =	ssyncset.done $0x0  }
0xea: {  	[sflag:s29] =	ssyncadd.s32 $0xFFFFF000  }
0xeb: {  	_ =	swait.ge [sflag:s29], $0x1000  }
0xec: {  	[sflag:s29] =	ssyncset.done $0x0  }
0xed: {  	[sflag:s29] =	ssyncadd.s32 $0xFFFFF000  }
0xee: {  	p1 =	seq.s32 s9, $0x16800;
	_ =	swait.ge [sflag:s30], $0xA000  }
0xef: {  	s13 =	simm.s32 @!p1 $0x6400;
	s12 =	sshra.s32 @!p1 s9, $0x2;
	[sflag:s30] =	ssyncset.done $0x0  }
0xf0: {  	s11 =	simm.s32 @!p1 $0x80;
	s14 =	sadd.s32 @!p1 $0xA00, s12;
	[sflag:s30] =	ssyncadd.s32 $0xFFFF6000  }
0xf1: {  	[tilespmem:s13], [sflag:$0x1] =	stream.indirect.gather @!p1 [hbm4b:s3+s11], $0x20, s14, s11, $0xb8;
	[tilespmem:$0x1A400] =	vst v63  }
0xf2: {  	s15 =	sadd.s32 @!p1 $0xA80, s12;
	s16 =	simm.s32 @!p1 $0x7400  }
0xf3: {  	[tilespmem:s16], [sflag:$0x1] =	stream.indirect.gather @!p1 [hbm4b:s3+s11], $0x20, s15, s11, $0xb8;
	[tilespmem:$0x1A400] =	vst v63  }
0xf4: {  	s13 =	sadd.s32 @!p1 $0xB00, s12;
	s14 =	simm.s32 @!p1 $0x8400  }
0xf5: {  	[tilespmem:s14], [sflag:$0x1] =	stream.indirect.gather @!p1 [hbm4b:s3+s11], $0x20, s13, s11, $0xb8;
	[tilespmem:$0x1A400] =	vst v63  }
0xf6: {  	s17 =	sadd.s32 @!p1 $0xB80, s12;
	s15 =	simm.s32 @!p1 $0x9400  }
0xf7: {  	[tilespmem:s15], [sflag:$0x1] =	stream.indirect.gather @!p1 [hbm4b:s3+s11], $0x20, s17, s11, $0xb8;
	[tilespmem:$0x1A400] =	vst v63  }
0xf8: {  	s16 =	sadd.s32 @!p1 $0xC00, s12;
	s13 =	simm.s32 @!p1 $0xA400  }
0xf9: {  	[tilespmem:s13], [sflag:$0x1] =	stream.indirect.gather @!p1 [hbm4b:s3+s11], $0x20, s16, s11, $0xb8;
	[tilespmem:$0x1A400] =	vst v63  }
0xfa: {  	s18 =	sadd.s32 @!p1 $0xC80, s12;
	s15 =	simm.s32 @!p1 $0xB400  }
0xfb: {  	[tilespmem:s15], [sflag:$0x1] =	stream.indirect.gather @!p1 [hbm4b:s3+s11], $0x20, s18, s11, $0xb8;
	[tilespmem:$0x1A400] =	vst v63  }
0xfc: {  	s0 =	sadd.s32 $0x2800, s0;
	s14 =	sadd.s32 @!p1 $0xD00, s12;
	s13 =	simm.s32 @!p1 $0xC400  }
0xfd: {  	[tilespmem:s13], [sflag:$0x1] =	stream.indirect.gather @!p1 [hbm4b:s3+s11], $0x20, s14, s11, $0xb8;
	[tilespmem:$0x1A400] =	vst v63  }
0xfe: {  	p0 =	sne.s32 s0, $0x19000;
	s19 =	sadd.s32 @!p1 $0xD80, s12;
	s15 =	simm.s32 @!p1 $0xD400  }
0xff: {  	[tilespmem:s15], [sflag:$0x1] =	stream.indirect.gather @!p1 [hbm4b:s3+s11], $0x20, s19, s11, $0xb8;
	[tilespmem:$0x1A400] =	vst v63  }
.Ltmp0:
0x100: {  	_ = 	snop;
	(pc) =	sbr.rel @p0 .LBB2_2-.Ltmp0, $4  }
0x101: {  	s10 =	rddreg [dreg:$0x4];
	s17 =	sadd.s32 @!p1 $0xE00, s12;
	s13 =	simm.s32 @!p1 $0xE400  }
0x102: {  	[tilespmem:s13], [sflag:$0x1] =	stream.indirect.gather @!p1 [hbm4b:s3+s11], $0x20, s17, s11, $0xb8;
	[tilespmem:$0x1A400] =	vst v63  }
0x103: {  	s10 =	sadd.s32 s9, s10;
	s12 =	sadd.s32 @!p1 $0xE80, s12;
	s14 =	simm.s32 @!p1 $0xF400  }
0x104: {  	[tilespmem:s14], [sflag:$0x1] =	stream.indirect.gather @!p1 [hbm4b:s3+s11], $0x20, s12, s11, $0xb8;
	[tilespmem:$0x1A400] =	vst v63  }
0x105: {  	s1 =	sadd.s32 $0x1, s1  }
0x106: {  	p0 =	sne.s32 s1, s5  }
.Ltmp1:
0x107: {  	_ = 	snop;
	(pc) =	sbr.rel @p0 .LBB2_1-.Ltmp1, $4  }
0x108: {  	[hbm4b:s10+s2] =	stream.linear.scatter [tilespmem:s28], [sflag:$0x4], $0xA000, $0x38;
	[tilespmem:$0x1A400] =	vst v63  }
0x109: {  	_ =	swait.ge [sflag:s31], $0xA000  }
0x10a: {  	[sflag:s31] =	ssyncset.done $0x0  }
0x10b: {  	[sflag:s31] =	ssyncadd.s32 $0xFFFF6000  }
0x10c: {  	_ =	sfence.sel $0x180000  }
0x10d: {  	[bflag:$0x0] =	sbarrier.arrive $0xFFFF  }
0x10e: {  	_ =	strace $0x90000047  }
0x10f: {  	s0 =	stileid.u32;
	[bflag:$0x2] =	sbarrier.arrive $0xFFFF  }
0x110: {  	p0 =	sne.s32 s0, $0x0;
	s0 =	rddreg [dreg:$0x2]  }
0x111: {  	s0 =	sadd.s32 @!p0 $0x100000, s0  }
0x112: {  	[sflag:s0] =	ssyncadd.tile.s32 @!p0 $0x1;
	_ =	shalt  }
.Lfunc_end2:
_tile_overlayer_lowered:
.L_overlay_start_2:
0x113: {  	(tag) =	ssettag $0x2  }
0x114: {  	s0 =	rddreg [dreg:$0x0];
	s2 =	stileid.u32  }
0x115: {  	s1 =	rddreg [dreg:$0x1];
	p0 =	sne.s32 s2, $0x0  }
0x116: {  	s3 =	rddreg [dreg:$0x2];
	[bflag:$0x3] =	sbarrier.arrive $0xFFFF;
	s2 =	simm.s32 @!p0 $0x1C05  }
0x117: {  	[timem:s3], [sflag:s2] =	dma.local @!p0 [hbm:s0], s1  }
0x118: {  	s0 =	simm.s32 @!p0 $0x5  }
0x119: {  	_ =	swait.ge @!p0 [sflag:s0], s1  }
0x11a: {  	s1 =	ssub.s32 @!p0 $0x0, s1;
	[sflag:s0] =	ssyncset.done @!p0 $0x0  }
0x11b: {  	[sflag:s0] =	ssyncadd.s32 @!p0 s1  }
0x11c: {  	[bflag:$0x3] =	sbarrier.arrive $0xFFFF  }
0x11d: {  	_ =	shalt  }

// kernel: sparse-core-data-format-call.cloned.1.call-start
scs
called_computation_lowered:
.L_overlay_start_0:
0x0: {  	s2 =	sld [smem:$0x3FD9]  }
0x1: {  	s3 =	sld [smem:$0x3FFE];
	_ =	sdelay $0x1  }
0x2: {  	s1 =	srdreg.scid  }
0x3: {  	s0 =	sand.u32 $0x1, s1  }
0x4: {  	s18 =	sshll.u32 s0, $0xA;
	s2 =	sadd.s32 s3, s2  }
0x5: {  	s2 =	sadd.s32 s2, s18  }
0x6: {  	[smem:$0x3FC6] =	sst s2  }
0x7: {  	_ = 	snop  }
0x8: {  	s2 =	sld [smem:$0x3FD0];
	(tm) =	ssettm $0x1  }
0x9: {  	s19 =	sld [smem:$0x3FFB];
	_ =	sdelay $0x3  }
0xa: {  	_ =	strace s19  }
0xb: {  	s3 =	sld [smem:$0x3FFC];
	_ =	sdelay $0x3  }
0xc: {  	_ =	strace s3  }
0xd: {  	s3 =	sld [smem:$0x3FFD];
	_ =	sdelay $0x3  }
0xe: {  	_ =	strace s3  }
0xf: {  	_ =	strace $0x8FFFFFFF  }
0x10: {  	s20 =	sld [smem:$0x3FDB];
	_ =	sdelay $0x1  }
0x11: {  	s4 =	simm.s32 $_scs_section_size  }
0x12: {  	s5 =	simm.s32 $_size__tile_overlayer_lowered;
	s6 =	simm.s32 $_tile_overlayer_lowered  }
0x13: {  	s23 =	simm.s32 $0x1BFF;
	s22 =	sshll.u32 s6, $0x1;
	s3 =	sadd.s32 s4, s20  }
0x14: {  	s7 =	simm.s32 $0x0;
	s21 =	sshll.u32 s5, $0x1;
	s5 =	sadd.s32 s22, s3  }
0x15: {  	[timem:s7], [sflag:s23] =	dma.local [hbm:s5], s21  }
0x16: {  	_ =	swait.ge [sflag:s23], s21  }
0x17: {  	s4 =	ssub.s32 $0x0, s21;
	[sflag:s23] =	ssyncset.done $0x0  }
0x18: {  	[sflag:s23] =	ssyncadd.s32 s4;
	_ =	sdelay $0x1  }
0x19: {  	s24 =	simm.s32 $0x1B8B  }
0x1a: {  	_ =	swait.ge [sflag:s24], $0x1  }
0x1b: {  	[sflag:s24] =	ssyncset.done $0x0  }
0x1c: {  	s26 =	simm.s32 $0x1B8E;
	s25 =	sld [smem:$0x3FFE];
	[sflag:s24] =	ssyncadd.s32 $0xFFFFFFFF  }
0x1d: {  	s27 =	simm.s32 $execute0_lowered;
	[smem:$0x3FD2] =	sst s26  }
0x1e: {  	s5 =	sshll.u32 s27, $0x1;
	_ =	strace $0x80000049;
	[dreg:$0x1] =	wrdreg $0xFFFFFFFF  }
0x1f: {  	s28 =	simm.s32 $_size_execute0_lowered;
	s3 =	sadd.s32 s3, s5;
	[dreg:$0x0] =	wrdreg $0x0  }
0x20: {  	s5 =	sshll.u32 s28, $0x1;
	[dreg:$0x2] =	wrdreg s3  }
0x21: {  	[dreg:$0x3] =	wrdreg s5  }
0x22: {  	[dreg:$0x4] =	wrdreg $0xC0  }
0x23: {  	_ =	task [dreg:s7], $0x5FFFF  }
0x24: {  	[dreg:$0x1] =	wrdreg $0xFFFFFFFF  }
0x25: {  	[dreg:$0x0] =	wrdreg $0x60  }
0x26: {  	[dreg:$0x2] =	wrdreg s25  }
0x27: {  	[dreg:$0x3] =	wrdreg s2  }
0x28: {  	[dreg:$0x4] =	wrdreg $0x9  }
0x29: {  	_ =	task.clear_ibuf [dreg:s7], $0x5FFFF;
	_ =	strace $0x90000049  }
0x2a: {  	s29 =	simm.s32 $0x9;
	_ =	strace $0x8000004B  }
0x2b: {  	_ =	swait.ge [sflag:s29], $0x1  }
0x2c: {  	[sflag:s29] =	ssyncadd.s32 $0xFFFFFFFF  }
0x2d: {  	_ =	strace $0x9000004B  }
0x2e: {  	_ =	sfence  }
0x2f: {  	s30 =	sld [smem:$0x0];
	_ =	sdelay $0x2  }
0x30: {  	s31 =	sshll.u32 s1, $0xD;
	s1 =	sshrl.u32 s1, $0x2  }
0x31: {  	s3 =	sand.u32 $0x4000, s31;
	s1 =	sadd.s32 s1, s30  }
0x32: {  	s0 =	sor.u32 s3, s0;
	s1 =	sshll.u32 s1, $0x11  }
0x33: {  	s0 =	sor.u32 s1, s0  }
0x34: {  	s0 =	sadd.s32 $0x8F2B, s0  }
0x35: {  	[sflag:s0] =	ssyncadd.remote.s32 $0x1  }
0x36: {  	_ =	sfence.sel $0xFFFF  }
0x37: {  	[dreg:$0x0] =	wrdreg $0xFFFFFFFF;
	(pc) =	sbr.abs _section_cstart, $3  }
0x38: {  	[dreg:$0x1] =	wrdreg $0xFFFFFFFF  }
0x39: {  	_ =	task.clear_ibuf [dreg:s7], $0x2FFFF;
	_ =	strace $0x9FFFFFFF  }
0x3a: {  	(tm) =	ssettm $0x7FFFFFFF  }
0x3b: {  	_ =	shalt  }
tec
execute0_lowered:
.L_overlay_start_1:
0x0: {  	(tag) =	ssettag $0x1  }
0x1: {  	s0 =	srdreg.scid  }
0x2: {  	s1 =	sshll.u32 s0, $0x4  }
0x3: {  	s0 =	stileid.u32;
	s1 =	sand.u32 $0x10, s1  }
0x4: {  	s1 =	sor.u32 s0, s1  }
0x5: {  	s6 =	rddreg [dreg:$0x0];
	s4 =	simm.s32 $0x1;
	s2 =	sshll.u32 s1, $0x7  }
0x6: {  	s7 =	simm.s32 $0x2;
	s12 =	simm.s32 $0x0;
	s1 =	ssub.s32 $0x1000, s2  }
0x7: {  	s8 =	simm.s32 $0x8000;
	s13 =	simm.s32 $0x0;
	s3 =	sand.u32 $0xF80, s1  }
0x8: {  	s9 =	simm.s32 $0x0;
	s5 =	sshrl.u32 s1, $0xC;
	p0 =	sne.s32 s3, $0x0  }
.Ltmp0:
0x9: {  	s1 =	rddreg [dreg:$0x2];
	s4 =	simm.s32 @!p0 $0x0;
	(pc) =	sbr.rel .LBB1_1-.Ltmp0, $4  }
0xa: {  	s11 =	simm.s32 $0x0;
	s3 =	rddreg [dreg:$0x1];
	s5 =	sadd.s32 s4, s5  }
0xb: {  	_ =	strace $0x8000004A;
	s4 =	simm.s32 $0x1;
	s5 =	smul.u32 $0xC8, s5  }
0xc: {  	s6 =	sadd.s32 $0xA00, s6;
	s10 =	smov.u32 s2;
	[sflag:s4] =	ssyncpa.u1 $0x0  }
0xd: {  	p0 =	por $0x0, $0x0;
	[sflag:s7] =	ssyncpa.u1 $0x0;
	s7 =	sor.u32 $0x1, s5  }
.LBB1_4:
0xe: {  	s16 =	sshll.u32 s13, $0x3;
	s17 =	sand.u32 $0x78, s13  }
0xf: {  	s30 =	sand.u32 $0x3E00, s13;
	s12 =	sshll.u32 s12, $0xE;
	s16 =	sand.u32 $0xC00, s16  }
0x10: {  	s31 =	sand.u32 $0x7, s13;
	s16 =	sor.u32 s17, s16;
	s17 =	sadd.s32 s3, s30  }
0x11: {  	s13 =	sshll.u32 s31, $0x12;
	s16 =	sshrl.u32 s16, $0x3;
	s12 =	sadd.s32 s12, s17  }
0x12: {  	[tilespmem:s15+$0x0 ss:$0x81] =	vst.msk $0xffff, v0;
	s13 =	sor.u32 $0x400, s13;
	s12 =	sadd.s32 s16, s12  }
0x13: {  	[hbm4b:s12+s13] =	stream.strided.scatter [tilespmem:s14], [sflag:$0x2], $0x1000, s8, s13, $0x20;
	[tilespmem:$0x4040] =	vst v63  }
.LBB1_5:
0x14: {  	s14 =	sadd.s32 $0x1, s9  }
0x15: {  	s12 =	sadd.s32 $0x1000, s10;
	s16 =	smov.u32 s10;
	p2 =	sgt.s32 s14, $0xC7  }
0x16: {  	s16 =	smov.u32 @p2 s12  }
0x17: {  	s14 =	simm.s32 @p2 $0x0;
	p2 =	sgt.s32 s16, $0xFFF  }
0x18: {  	s16 =	smov.u32 @p2 s2;
	p2 =	sne.s32 s11, s7  }
.Ltmp1:
0x19: {  	p1 =	slt.u32 s11, $0x2;
	(pc) =	sbr.rel @!p2 .LBB1_6-.Ltmp1, $4  }
0x1a: {  	s15 =	simm.s32 @!p1 $0x2  }
0x1b: {  	s13 =	smov.u32 s10;
	p0 =	por !p0, !p0;
	_ =	swait.ge @!p1 [sflag:s15], $0x1000  }
0x1c: {  	s12 =	smov.u32 s9;
	[sflag:s15] =	ssyncset.done @!p1 $0x0;
	s9 =	smov.u32 s14  }
0x1d: {  	s11 =	sadd.s32 $0x1, s11;
	[sflag:s15] =	ssyncadd.s32 @!p1 $0xFFFFF000;
	s10 =	smov.u32 s16  }
.LBB1_1:
0x1e: {  	p1 =	sge.u32 s11, s5  }
0x1f: {  	s14 =	sand.u32 @!p1 $0x1FFFFFF, s9  }
0x20: {  	s15 =	smulhi.u32 @!p1 $0x147AE15, s14;
	_ =	sdelay $0x1  }
0x21: {  	s15 =	smul.u32 @!p1 $0xC8, s15  }
0x22: {  	s16 =	sxor.u32 @!p1 $0xFFFFFFFF, s11;
	s17 =	smul.u32 @!p1 $0xC80, s10  }
0x23: {  	s31 =	sadd.s32 $0xFFFFFFFF, s11;
	s16 =	sshll.u32 @!p1 s16, $0xC;
	s14 =	ssub.s32 @!p1 s14, s15  }
0x24: {  	s15 =	sand.u32 @!p1 $0x1000, s16;
	s16 =	sadd.s32 @!p1 s6, s17;
	s14 =	sshll.u32 @!p1 s14, $0x4  }
0x25: {  	s17 =	simm.s32 @!p1 $0x6400;
	s14 =	sadd.s32 @!p1 s14, s16;
	s16 =	simm.s32 @!p1 $0x20  }
0x26: {  	[tilespmem:s15], [sflag:$0x1] =	stream.strided.gather @!p1 [hbm4b:s14+s16], $0x1000, s17, s16, $0x38;
	[tilespmem:$0x4040] =	vst v63  }
0x27: {  	p1 =	sge.u32 s31, s5  }
.Ltmp2:
0x28: {  	_ = 	snop;
	(pc) =	sbr.rel @p1 .LBB1_5-.Ltmp2, $1  }
0x29: {  	_ =	sdelay $0x3  }
0x2a: {  	s14 =	simm.s32 $0x1  }
0x2b: {  	_ =	swait.ge [sflag:s4], $0x1000;
	s14 =	simm.s32 @!p0 $0x0  }
0x2c: {  	[sflag:s4] =	ssyncset.done $0x0;
	s15 =	sshll.u32 s14, $0xC  }
0x2d: {  	[sflag:s4] =	ssyncadd.s32 $0xFFFFF000;
	s18 =	sor.u32 $0x10, s15  }
0x2e: {  	s14 =	smul.u32 $0x4080, s14;
	v1 =	vld [tilespmem:s18+$0x0]  }
0x2f: {  	s30 =	sand.u32 $0x1, s11;
	v0 =	vld [tilespmem:s18+$0xFFFFFFF0]  }
0x30: {  	s15 =	smul.u32 $0x4080, s30;
	s14 =	sshrl.u32 s14, $0x2  }
0x31: {  	s16 =	sor.u32 $0x2000, s14  }
0x32: {  	s31 =	sshrl.u32 s15, $0x2;
	s15 =	sadd.s32 $0x0, s16  }
0x33: {  	s17 =	simm.s32 $0x4;
	s18 =	sadd.s32 $0x20, s18;
	s14 =	sor.u32 $0x2000, s31;
	[tilespmem:s15+$0x810 ss:$0x81] =	vst.msk $0xffff, v1  }
.LBB1_3:
0x34: {  	v1 =	vld [tilespmem:s18+$0x0];
	p1 =	sne.s32 s17, $0x1FC;
	[tilespmem:s15+$0x0 ss:$0x81] =	vst.msk $0xffff, v0;
	s15 =	smov.u32 s17;
	s17 =	sadd.s32 $0x4, s17  }
.Ltmp3:
0x35: {  	v0 =	vld [tilespmem:s18+$0xFFFFFFF0];
	(pc) =	sbr.rel @p1 .LBB1_3-.Ltmp3, $4  }
0x36: {  	_ = 	snop  }
0x37: {  	s15 =	sshra.s32 s15, $0x2  }
0x38: {  	s15 =	sadd.s32 s15, s16  }
0x39: {  	s18 =	sadd.s32 $0x20, s18;
	[tilespmem:s15+$0x810 ss:$0x81] =	vst.msk $0xffff, v1  }
.Ltmp4:
0x3a: {  	_ = 	snop;
	(pc) =	sbr.rel .LBB1_4-.Ltmp4, $1  }
0x3b: {  	_ =	sdelay $0x3  }
.LBB1_6:
0x3c: {  	_ =	sfence.sel $0x180000  }
0x3d: {  	s2 =	simm.s32 $0x1;
	[bflag:$0x0] =	sbarrier.arrive $0xFFFF  }
0x3e: {  	s31 =	simm.s32 $0x2;
	[sflag:s2] =	ssyncpa.u1 $0x1  }
0x3f: {  	[sflag:s31] =	ssyncpa.u1 $0x1  }
0x40: {  	p0 =	sne.s32 s0, $0x0;
	_ =	strace $0x9000004A  }
0x41: {  	s0 =	sadd.s32 @!p0 $0x100000, s1;
	[bflag:$0x2] =	sbarrier.arrive $0xFFFF  }
0x42: {  	[sflag:s0] =	ssyncadd.tile.s32 @!p0 $0x1;
	_ =	shalt  }
.Lfunc_end1:
_tile_overlayer_lowered:
.L_overlay_start_2:
0x43: {  	(tag) =	ssettag $0x2  }
0x44: {  	s0 =	rddreg [dreg:$0x0];
	s2 =	stileid.u32  }
0x45: {  	s1 =	rddreg [dreg:$0x1];
	p0 =	sne.s32 s2, $0x0  }
0x46: {  	s3 =	rddreg [dreg:$0x2];
	[bflag:$0x3] =	sbarrier.arrive $0xFFFF;
	s2 =	simm.s32 @!p0 $0x1C01  }
0x47: {  	[timem:s3], [sflag:s2] =	dma.local @!p0 [hbm:s0], s1  }
0x48: {  	s0 =	simm.s32 @!p0 $0x1  }
0x49: {  	_ =	swait.ge @!p0 [sflag:s0], s1  }
0x4a: {  	s1 =	ssub.s32 @!p0 $0x0, s1;
	[sflag:s0] =	ssyncset.done @!p0 $0x0  }
0x4b: {  	[sflag:s0] =	ssyncadd.s32 @!p0 s1  }
0x4c: {  	[bflag:$0x3] =	sbarrier.arrive $0xFFFF  }
0x4d: {  	_ =	shalt  }

</sc_bundles>
